<compile_context>
chip_gen: v7x
topology: tpu7x:2x2x1
jax: 0.10.2.dev20260603
libtpu: 0.0.44.dev20260713+nightly
codegen_flags: <defaults>
</compile_context>

<pallas_src>
import jax
import jax.numpy as jnp
from jax import lax
from jax.experimental import pallas as pl
from jax.experimental.pallas import tpu as pltpu
from jax.experimental.pallas import tpu_sc as plsc

T = 2048
D = 768
B = 4
NC, NS, L = 2, 16, 16
NW = NC * NS
T_PER_W = T // NW
C = 16
NCH = T_PER_W // C
VPR = D // L


def _body(idx_hbm, tok_hbm, pos_hbm, out_hbm, idx_v, pos_v, rows_v, gsem, psem, ssem):
    cid = lax.axis_index("c")
    sid = lax.axis_index("s")
    wid = sid * NC + cid
    t0 = wid * T_PER_W

    idx_cps = [pltpu.async_copy(idx_hbm.at[b, pl.ds(t0, T_PER_W)],
                                idx_v.at[b], psem) for b in range(B)]
    for d in idx_cps:
        d.wait()

    def fire(g):
        s = g % 2
        p = pltpu.async_copy(pos_hbm.at[pl.ds(t0 + g * C, C)], pos_v.at[s], psem)
        gs = [pltpu.async_copy(tok_hbm.at[idx_v.at[b, pl.ds(g * C, C)]],
                               rows_v.at[s, b], gsem) for b in range(B)]
        return [p] + gs

    inflight = {0: fire(0)}
    stores = {}
    for g in range(NCH):
        s = g % 2
        if g + 1 < NCH:
            if g >= 1:
                for d in stores.pop(g - 1):
                    d.wait()
            inflight[g + 1] = fire(g + 1)
        for d in inflight.pop(g):
            d.wait()

        def _row_DIAG_DISABLED(r, _):
            def _vec(j, _):
                v = pos_v[s, r, pl.ds(j * L, L)]
                for b in range(B):
                    plsc.addupdate(rows_v.at[s, b, r, pl.ds(j * L, L)], v)
                return 0
            lax.fori_loop(0, VPR, _vec, 0, unroll=4)
            return 0

        stores[g] = [pltpu.async_copy(rows_v.at[s, b],
                                      out_hbm.at[pl.ds(b * T + t0 + g * C, C)], ssem)
                     for b in range(B)]
    for g in stores:
        for d in stores[g]:
            d.wait()


@jax.jit
def _run(idx, tok_emb, pos_emb):
    k = pl.kernel(
        _body,
        out_type=jax.ShapeDtypeStruct((B * T, D), jnp.float32),
        mesh=plsc.VectorSubcoreMesh(core_axis_name="c", subcore_axis_name="s"),
        scratch_types=[
            pltpu.VMEM((B, T_PER_W), jnp.int32),
            pltpu.VMEM((2, C, D), jnp.float32),
            pltpu.VMEM((2, B, C, D), jnp.float32),
            pltpu.SemaphoreType.DMA,
            pltpu.SemaphoreType.DMA,
            pltpu.SemaphoreType.DMA,
        ],
    )
    return k(idx, tok_emb, pos_emb)


def kernel(idx, tok_emb, pos_emb):
    out = _run(idx.astype(jnp.int32), tok_emb, pos_emb)
    return out.reshape(B, T, D)

# --- scband reference (transcript-rebuilt; emitter-appended) ---
"""Pipeline reference for scband-combined-embedding-26826365731303 (READ-ONLY COPY).

The authoritative reference and input builder live on the scoring server;
editing this copy changes nothing except your own understanding.
"""

import jax, jax.numpy as jnp
import numpy as np

VOCAB_SIZE = 50257
BLOCK_SIZE = 2048
N_EMBD = 768
B, T = 4, 2048


def setup_inputs(seed: int = 0) -> dict:
    key = jax.random.key(seed)
    k1, k2, k3 = jax.random.split(key, 3)
    idx = jax.random.randint(k1, (B, T), 0, VOCAB_SIZE, dtype=jnp.int64 if jax.config.jax_enable_x64 else jnp.int32)
    tok_emb = jax.random.normal(k2, (VOCAB_SIZE, N_EMBD), dtype=jnp.float32) * 0.02
    pos_emb = jax.random.normal(k3, (BLOCK_SIZE, N_EMBD), dtype=jnp.float32) * 0.02
    return {"idx": idx, "tok_emb": tok_emb, "pos_emb": pos_emb}


def reference(idx, tok_emb, pos_emb):
    # tok = self.tok_emb(idx)
    tok = jnp.take(tok_emb, idx, axis=0)          # [B, T, n_embd]
    # pos = self.pos_emb(arange(T))
    Tlen = idx.shape[1]
    pos = jnp.take(pos_emb, jnp.arange(Tlen), axis=0)  # [T, n_embd]
    # dropout is identity at inference time (p=0.1 train-only)
    return tok + pos[None, :, :]

if __name__ == "__main__":
    import jax
    _d = setup_inputs()
    print(jax.jit(kernel)(*tuple(_d.values())))

</pallas_src>

<mosaic_0001>
#map = affine_map<(d0, d1) -> (0, 0)>
module attributes {stable_mosaic.version = 14 : i64} {
  func.func @_body(%arg0: i32, %arg1: i32, %arg2: memref<4x2048xi32, #tpu.memory_space<hbm>>, %arg3: memref<50257x768xf32, #tpu.memory_space<hbm>>, %arg4: memref<2048x768xf32, #tpu.memory_space<hbm>>, %arg5: memref<8192x768xf32, #tpu.memory_space<hbm>>, %arg6: memref<4x64xi32, #tpu.memory_space<vmem>>, %arg7: memref<2x16x768xf32, #tpu.memory_space<vmem>>, %arg8: memref<2x4x16x768xf32, #tpu.memory_space<vmem>>, %arg9: memref<!tpu.dma_semaphore, #tpu.memory_space<semaphore_mem>>, %arg10: memref<!tpu.dma_semaphore, #tpu.memory_space<semaphore_mem>>, %arg11: memref<!tpu.dma_semaphore, #tpu.memory_space<semaphore_mem>>) attributes {dimension_semantics = [#tpu.dimension_semantics<core_parallel>, #tpu.dimension_semantics<subcore_parallel>], iteration_bounds = array<i64: 2, 16>, scalar_prefetch = 0 : i64, scratch_operands = 6 : i64, tpu.core_type = #tpu.core_type<sc_vector_subcore>, window_params = [{transform_indices = #map}, {transform_indices = #map}, {transform_indices = #map}, {transform_indices = #map}]} {
    %mul3A = arith.constant 2 : i32
    %mul3A_0 = arith.muli %arg1, %mul3A : i32
    %add3A = arith.addi %mul3A_0, %arg0 : i32
    %mul3A_1 = arith.constant 64 : i32
    %mul3A_2 = arith.muli %add3A, %mul3A_1 : i32
    %dma_start3A = arith.constant 0 : i32
    %dma_start3A_3 = arith.constant 0 : i32
    %dma_start3A_4 = arith.constant 0 : i32
    %dma_start3A_5 = tpu.memref_slice %arg6[%dma_start3A_3, %dma_start3A_4] : memref<4x64xi32, #tpu.memory_space<vmem>> -> memref<1x64xi32, #tpu.memory_space<vmem>>
    %dma_start3A_6 = tpu.memref_squeeze %dma_start3A_5 : memref<1x64xi32, #tpu.memory_space<vmem>> -> memref<64xi32, #tpu.memory_space<vmem>>
    %dma_start3A_7 = tpu.memref_slice %arg2[%dma_start3A, %mul3A_2] : memref<4x2048xi32, #tpu.memory_space<hbm>> -> memref<1x64xi32, #tpu.memory_space<hbm>>
    %dma_start3A_8 = tpu.memref_squeeze %dma_start3A_7 : memref<1x64xi32, #tpu.memory_space<hbm>> -> memref<64xi32, #tpu.memory_space<hbm>>
    %dma_start3A_9 = arith.constant 0 : i32
    %dma_start3A_10 = tpu.memref_slice %arg6[%dma_start3A_3, %dma_start3A_9] : memref<4x64xi32, #tpu.memory_space<vmem>> -> memref<1x64xi32, #tpu.memory_space<vmem>>
    %dma_start3A_11 = tpu.memref_squeeze %dma_start3A_10 : memref<1x64xi32, #tpu.memory_space<vmem>> -> memref<64xi32, #tpu.memory_space<vmem>>
    %dma_start3A_12 = tpu.memref_slice %arg2[%dma_start3A, %mul3A_2] : memref<4x2048xi32, #tpu.memory_space<hbm>> -> memref<1x64xi32, #tpu.memory_space<hbm>>
    %dma_start3A_13 = tpu.memref_squeeze %dma_start3A_12 : memref<1x64xi32, #tpu.memory_space<hbm>> -> memref<64xi32, #tpu.memory_space<hbm>>
    tpu.enqueue_dma source(%dma_start3A_13 : memref<64xi32, #tpu.memory_space<hbm>>) target(%dma_start3A_11 : memref<64xi32, #tpu.memory_space<vmem>>) target_semaphore(%arg10 : memref<!tpu.dma_semaphore, #tpu.memory_space<semaphore_mem>>)
    %dma_start3A_14 = arith.constant 1 : i32
    %dma_start3A_15 = arith.constant 1 : i32
    %dma_start3A_16 = arith.constant 0 : i32
    %dma_start3A_17 = tpu.memref_slice %arg6[%dma_start3A_15, %dma_start3A_16] : memref<4x64xi32, #tpu.memory_space<vmem>> -> memref<1x64xi32, #tpu.memory_space<vmem>>
    %dma_start3A_18 = tpu.memref_squeeze %dma_start3A_17 : memref<1x64xi32, #tpu.memory_space<vmem>> -> memref<64xi32, #tpu.memory_space<vmem>>
    %dma_start3A_19 = tpu.memref_slice %arg2[%dma_start3A_14, %mul3A_2] : memref<4x2048xi32, #tpu.memory_space<hbm>> -> memref<1x64xi32, #tpu.memory_space<hbm>>
    %dma_start3A_20 = tpu.memref_squeeze %dma_start3A_19 : memref<1x64xi32, #tpu.memory_space<hbm>> -> memref<64xi32, #tpu.memory_space<hbm>>
    %dma_start3A_21 = arith.constant 0 : i32
    %dma_start3A_22 = tpu.memref_slice %arg6[%dma_start3A_15, %dma_start3A_21] : memref<4x64xi32, #tpu.memory_space<vmem>> -> memref<1x64xi32, #tpu.memory_space<vmem>>
    %dma_start3A_23 = tpu.memref_squeeze %dma_start3A_22 : memref<1x64xi32, #tpu.memory_space<vmem>> -> memref<64xi32, #tpu.memory_space<vmem>>
    %dma_start3A_24 = tpu.memref_slice %arg2[%dma_start3A_14, %mul3A_2] : memref<4x2048xi32, #tpu.memory_space<hbm>> -> memref<1x64xi32, #tpu.memory_space<hbm>>
    %dma_start3A_25 = tpu.memref_squeeze %dma_start3A_24 : memref<1x64xi32, #tpu.memory_space<hbm>> -> memref<64xi32, #tpu.memory_space<hbm>>
    tpu.enqueue_dma source(%dma_start3A_25 : memref<64xi32, #tpu.memory_space<hbm>>) target(%dma_start3A_23 : memref<64xi32, #tpu.memory_space<vmem>>) target_semaphore(%arg10 : memref<!tpu.dma_semaphore, #tpu.memory_space<semaphore_mem>>)
    %dma_start3A_26 = arith.constant 2 : i32
    %dma_start3A_27 = arith.constant 2 : i32
    %dma_start3A_28 = arith.constant 0 : i32
    %dma_start3A_29 = tpu.memref_slice %arg6[%dma_start3A_27, %dma_start3A_28] : memref<4x64xi32, #tpu.memory_space<vmem>> -> memref<1x64xi32, #tpu.memory_space<vmem>>
    %dma_start3A_30 = tpu.memref_squeeze %dma_start3A_29 : memref<1x64xi32, #tpu.memory_space<vmem>> -> memref<64xi32, #tpu.memory_space<vmem>>
    %dma_start3A_31 = tpu.memref_slice %arg2[%dma_start3A_26, %mul3A_2] : memref<4x2048xi32, #tpu.memory_space<hbm>> -> memref<1x64xi32, #tpu.memory_space<hbm>>
    %dma_start3A_32 = tpu.memref_squeeze %dma_start3A_31 : memref<1x64xi32, #tpu.memory_space<hbm>> -> memref<64xi32, #tpu.memory_space<hbm>>
    %dma_start3A_33 = arith.constant 0 : i32
    %dma_start3A_34 = tpu.memref_slice %arg6[%dma_start3A_27, %dma_start3A_33] : memref<4x64xi32, #tpu.memory_space<vmem>> -> memref<1x64xi32, #tpu.memory_space<vmem>>
    %dma_start3A_35 = tpu.memref_squeeze %dma_start3A_34 : memref<1x64xi32, #tpu.memory_space<vmem>> -> memref<64xi32, #tpu.memory_space<vmem>>
    %dma_start3A_36 = tpu.memref_slice %arg2[%dma_start3A_26, %mul3A_2] : memref<4x2048xi32, #tpu.memory_space<hbm>> -> memref<1x64xi32, #tpu.memory_space<hbm>>
    %dma_start3A_37 = tpu.memref_squeeze %dma_start3A_36 : memref<1x64xi32, #tpu.memory_space<hbm>> -> memref<64xi32, #tpu.memory_space<hbm>>
    tpu.enqueue_dma source(%dma_start3A_37 : memref<64xi32, #tpu.memory_space<hbm>>) target(%dma_start3A_35 : memref<64xi32, #tpu.memory_space<vmem>>) target_semaphore(%arg10 : memref<!tpu.dma_semaphore, #tpu.memory_space<semaphore_mem>>)
    %dma_start3A_38 = arith.constant 3 : i32
    %dma_start3A_39 = arith.constant 3 : i32
    %dma_start3A_40 = arith.constant 0 : i32
    %dma_start3A_41 = tpu.memref_slice %arg6[%dma_start3A_39, %dma_start3A_40] : memref<4x64xi32, #tpu.memory_space<vmem>> -> memref<1x64xi32, #tpu.memory_space<vmem>>
    %dma_start3A_42 = tpu.memref_squeeze %dma_start3A_41 : memref<1x64xi32, #tpu.memory_space<vmem>> -> memref<64xi32, #tpu.memory_space<vmem>>
    %dma_start3A_43 = tpu.memref_slice %arg2[%dma_start3A_38, %mul3A_2] : memref<4x2048xi32, #tpu.memory_space<hbm>> -> memref<1x64xi32, #tpu.memory_space<hbm>>
    %dma_start3A_44 = tpu.memref_squeeze %dma_start3A_43 : memref<1x64xi32, #tpu.memory_space<hbm>> -> memref<64xi32, #tpu.memory_space<hbm>>
    %dma_start3A_45 = arith.constant 0 : i32
    %dma_start3A_46 = tpu.memref_slice %arg6[%dma_start3A_39, %dma_start3A_45] : memref<4x64xi32, #tpu.memory_space<vmem>> -> memref<1x64xi32, #tpu.memory_space<vmem>>
    %dma_start3A_47 = tpu.memref_squeeze %dma_start3A_46 : memref<1x64xi32, #tpu.memory_space<vmem>> -> memref<64xi32, #tpu.memory_space<vmem>>
    %dma_start3A_48 = tpu.memref_slice %arg2[%dma_start3A_38, %mul3A_2] : memref<4x2048xi32, #tpu.memory_space<hbm>> -> memref<1x64xi32, #tpu.memory_space<hbm>>
    %dma_start3A_49 = tpu.memref_squeeze %dma_start3A_48 : memref<1x64xi32, #tpu.memory_space<hbm>> -> memref<64xi32, #tpu.memory_space<hbm>>
    tpu.enqueue_dma source(%dma_start3A_49 : memref<64xi32, #tpu.memory_space<hbm>>) target(%dma_start3A_47 : memref<64xi32, #tpu.memory_space<vmem>>) target_semaphore(%arg10 : memref<!tpu.dma_semaphore, #tpu.memory_space<semaphore_mem>>)
    %dma_wait3A = arith.constant 0 : i32
    %dma_wait3A_50 = arith.constant 0 : i32
    %dma_wait3A_51 = arith.constant 0 : i32
    %dma_wait3A_52 = tpu.memref_slice %arg6[%dma_wait3A_50, %dma_wait3A_51] : memref<4x64xi32, #tpu.memory_space<vmem>> -> memref<1x64xi32, #tpu.memory_space<vmem>>
    %dma_wait3A_53 = tpu.memref_squeeze %dma_wait3A_52 : memref<1x64xi32, #tpu.memory_space<vmem>> -> memref<64xi32, #tpu.memory_space<vmem>>
    %dma_wait3A_54 = tpu.memref_slice %arg2[%dma_wait3A, %mul3A_2] : memref<4x2048xi32, #tpu.memory_space<hbm>> -> memref<1x64xi32, #tpu.memory_space<hbm>>
    %dma_wait3A_55 = tpu.memref_squeeze %dma_wait3A_54 : memref<1x64xi32, #tpu.memory_space<hbm>> -> memref<64xi32, #tpu.memory_space<hbm>>
    %dma_wait3A_56 = arith.constant 0 : i32
    %dma_wait3A_57 = tpu.memref_slice %arg6[%dma_wait3A_50, %dma_wait3A_56] : memref<4x64xi32, #tpu.memory_space<vmem>> -> memref<1x64xi32, #tpu.memory_space<vmem>>
    %dma_wait3A_58 = tpu.memref_squeeze %dma_wait3A_57 : memref<1x64xi32, #tpu.memory_space<vmem>> -> memref<64xi32, #tpu.memory_space<vmem>>
    %dma_wait3A_59 = tpu.memref_slice %arg2[%dma_wait3A, %mul3A_2] : memref<4x2048xi32, #tpu.memory_space<hbm>> -> memref<1x64xi32, #tpu.memory_space<hbm>>
    %dma_wait3A_60 = tpu.memref_squeeze %dma_wait3A_59 : memref<1x64xi32, #tpu.memory_space<hbm>> -> memref<64xi32, #tpu.memory_space<hbm>>
    tpu.wait_dma2 semaphore(%arg10 : memref<!tpu.dma_semaphore, #tpu.memory_space<semaphore_mem>>) src(%dma_wait3A_60 : memref<64xi32, #tpu.memory_space<hbm>>) dst(%dma_wait3A_58 : memref<64xi32, #tpu.memory_space<vmem>>)
    %dma_wait3A_61 = arith.constant 1 : i32
    %dma_wait3A_62 = arith.constant 1 : i32
    %dma_wait3A_63 = arith.constant 0 : i32
    %dma_wait3A_64 = tpu.memref_slice %arg6[%dma_wait3A_62, %dma_wait3A_63] : memref<4x64xi32, #tpu.memory_space<vmem>> -> memref<1x64xi32, #tpu.memory_space<vmem>>
    %dma_wait3A_65 = tpu.memref_squeeze %dma_wait3A_64 : memref<1x64xi32, #tpu.memory_space<vmem>> -> memref<64xi32, #tpu.memory_space<vmem>>
    %dma_wait3A_66 = tpu.memref_slice %arg2[%dma_wait3A_61, %mul3A_2] : memref<4x2048xi32, #tpu.memory_space<hbm>> -> memref<1x64xi32, #tpu.memory_space<hbm>>
    %dma_wait3A_67 = tpu.memref_squeeze %dma_wait3A_66 : memref<1x64xi32, #tpu.memory_space<hbm>> -> memref<64xi32, #tpu.memory_space<hbm>>
    %dma_wait3A_68 = arith.constant 0 : i32
    %dma_wait3A_69 = tpu.memref_slice %arg6[%dma_wait3A_62, %dma_wait3A_68] : memref<4x64xi32, #tpu.memory_space<vmem>> -> memref<1x64xi32, #tpu.memory_space<vmem>>
    %dma_wait3A_70 = tpu.memref_squeeze %dma_wait3A_69 : memref<1x64xi32, #tpu.memory_space<vmem>> -> memref<64xi32, #tpu.memory_space<vmem>>
    %dma_wait3A_71 = tpu.memref_slice %arg2[%dma_wait3A_61, %mul3A_2] : memref<4x2048xi32, #tpu.memory_space<hbm>> -> memref<1x64xi32, #tpu.memory_space<hbm>>
    %dma_wait3A_72 = tpu.memref_squeeze %dma_wait3A_71 : memref<1x64xi32, #tpu.memory_space<hbm>> -> memref<64xi32, #tpu.memory_space<hbm>>
    tpu.wait_dma2 semaphore(%arg10 : memref<!tpu.dma_semaphore, #tpu.memory_space<semaphore_mem>>) src(%dma_wait3A_72 : memref<64xi32, #tpu.memory_space<hbm>>) dst(%dma_wait3A_70 : memref<64xi32, #tpu.memory_space<vmem>>)
    %dma_wait3A_73 = arith.constant 2 : i32
    %dma_wait3A_74 = arith.constant 2 : i32
    %dma_wait3A_75 = arith.constant 0 : i32
    %dma_wait3A_76 = tpu.memref_slice %arg6[%dma_wait3A_74, %dma_wait3A_75] : memref<4x64xi32, #tpu.memory_space<vmem>> -> memref<1x64xi32, #tpu.memory_space<vmem>>
    %dma_wait3A_77 = tpu.memref_squeeze %dma_wait3A_76 : memref<1x64xi32, #tpu.memory_space<vmem>> -> memref<64xi32, #tpu.memory_space<vmem>>
    %dma_wait3A_78 = tpu.memref_slice %arg2[%dma_wait3A_73, %mul3A_2] : memref<4x2048xi32, #tpu.memory_space<hbm>> -> memref<1x64xi32, #tpu.memory_space<hbm>>
    %dma_wait3A_79 = tpu.memref_squeeze %dma_wait3A_78 : memref<1x64xi32, #tpu.memory_space<hbm>> -> memref<64xi32, #tpu.memory_space<hbm>>
    %dma_wait3A_80 = arith.constant 0 : i32
    %dma_wait3A_81 = tpu.memref_slice %arg6[%dma_wait3A_74, %dma_wait3A_80] : memref<4x64xi32, #tpu.memory_space<vmem>> -> memref<1x64xi32, #tpu.memory_space<vmem>>
    %dma_wait3A_82 = tpu.memref_squeeze %dma_wait3A_81 : memref<1x64xi32, #tpu.memory_space<vmem>> -> memref<64xi32, #tpu.memory_space<vmem>>
    %dma_wait3A_83 = tpu.memref_slice %arg2[%dma_wait3A_73, %mul3A_2] : memref<4x2048xi32, #tpu.memory_space<hbm>> -> memref<1x64xi32, #tpu.memory_space<hbm>>
    %dma_wait3A_84 = tpu.memref_squeeze %dma_wait3A_83 : memref<1x64xi32, #tpu.memory_space<hbm>> -> memref<64xi32, #tpu.memory_space<hbm>>
    tpu.wait_dma2 semaphore(%arg10 : memref<!tpu.dma_semaphore, #tpu.memory_space<semaphore_mem>>) src(%dma_wait3A_84 : memref<64xi32, #tpu.memory_space<hbm>>) dst(%dma_wait3A_82 : memref<64xi32, #tpu.memory_space<vmem>>)
    %dma_wait3A_85 = arith.constant 3 : i32
    %dma_wait3A_86 = arith.constant 3 : i32
    %dma_wait3A_87 = arith.constant 0 : i32
    %dma_wait3A_88 = tpu.memref_slice %arg6[%dma_wait3A_86, %dma_wait3A_87] : memref<4x64xi32, #tpu.memory_space<vmem>> -> memref<1x64xi32, #tpu.memory_space<vmem>>
    %dma_wait3A_89 = tpu.memref_squeeze %dma_wait3A_88 : memref<1x64xi32, #tpu.memory_space<vmem>> -> memref<64xi32, #tpu.memory_space<vmem>>
    %dma_wait3A_90 = tpu.memref_slice %arg2[%dma_wait3A_85, %mul3A_2] : memref<4x2048xi32, #tpu.memory_space<hbm>> -> memref<1x64xi32, #tpu.memory_space<hbm>>
    %dma_wait3A_91 = tpu.memref_squeeze %dma_wait3A_90 : memref<1x64xi32, #tpu.memory_space<hbm>> -> memref<64xi32, #tpu.memory_space<hbm>>
    %dma_wait3A_92 = arith.constant 0 : i32
    %dma_wait3A_93 = tpu.memref_slice %arg6[%dma_wait3A_86, %dma_wait3A_92] : memref<4x64xi32, #tpu.memory_space<vmem>> -> memref<1x64xi32, #tpu.memory_space<vmem>>
    %dma_wait3A_94 = tpu.memref_squeeze %dma_wait3A_93 : memref<1x64xi32, #tpu.memory_space<vmem>> -> memref<64xi32, #tpu.memory_space<vmem>>
    %dma_wait3A_95 = tpu.memref_slice %arg2[%dma_wait3A_85, %mul3A_2] : memref<4x2048xi32, #tpu.memory_space<hbm>> -> memref<1x64xi32, #tpu.memory_space<hbm>>
    %dma_wait3A_96 = tpu.memref_squeeze %dma_wait3A_95 : memref<1x64xi32, #tpu.memory_space<hbm>> -> memref<64xi32, #tpu.memory_space<hbm>>
    tpu.wait_dma2 semaphore(%arg10 : memref<!tpu.dma_semaphore, #tpu.memory_space<semaphore_mem>>) src(%dma_wait3A_96 : memref<64xi32, #tpu.memory_space<hbm>>) dst(%dma_wait3A_94 : memref<64xi32, #tpu.memory_space<vmem>>)
    %add3A_97 = arith.constant 0 : i32
    %add3A_98 = arith.addi %mul3A_2, %add3A_97 : i32
    %dma_start3A_99 = arith.constant 0 : i32
    %dma_start3A_100 = arith.constant 0 : i32
    %dma_start3A_101 = arith.constant 0 : i32
    %dma_start3A_102 = tpu.memref_slice %arg7[%dma_start3A_99, %dma_start3A_100, %dma_start3A_101] : memref<2x16x768xf32, #tpu.memory_space<vmem>> -> memref<1x16x768xf32, #tpu.memory_space<vmem>>
    %dma_start3A_103 = tpu.memref_squeeze %dma_start3A_102 : memref<1x16x768xf32, #tpu.memory_space<vmem>> -> memref<16x768xf32, #tpu.memory_space<vmem>>
    %dma_start3A_104 = arith.constant 0 : i32
    %dma_start3A_105 = tpu.memref_slice %arg4[%add3A_98, %dma_start3A_104] : memref<2048x768xf32, #tpu.memory_space<hbm>> -> memref<16x768xf32, #tpu.memory_space<hbm>>
    %dma_start3A_106 = arith.constant 0 : i32
    %dma_start3A_107 = arith.constant 0 : i32
    %dma_start3A_108 = tpu.memref_slice %arg7[%dma_start3A_99, %dma_start3A_106, %dma_start3A_107] : memref<2x16x768xf32, #tpu.memory_space<vmem>> -> memref<1x16x768xf32, #tpu.memory_space<vmem>>
    %dma_start3A_109 = tpu.memref_squeeze %dma_start3A_108 : memref<1x16x768xf32, #tpu.memory_space<vmem>> -> memref<16x768xf32, #tpu.memory_space<vmem>>
    %dma_start3A_110 = arith.constant 0 : i32
    %dma_start3A_111 = tpu.memref_slice %arg4[%add3A_98, %dma_start3A_110] : memref<2048x768xf32, #tpu.memory_space<hbm>> -> memref<16x768xf32, #tpu.memory_space<hbm>>
    tpu.enqueue_dma source(%dma_start3A_111 : memref<16x768xf32, #tpu.memory_space<hbm>>) target(%dma_start3A_109 : memref<16x768xf32, #tpu.memory_space<vmem>>) target_semaphore(%arg10 : memref<!tpu.dma_semaphore, #tpu.memory_space<semaphore_mem>>)
    %dma_start3A_112 = arith.constant 0 : i32
    %dma_start3A_113 = arith.constant 0 : i32
    %dma_start3A_114 = arith.constant 0 : i32
    %dma_start3A_115 = arith.constant 0 : i32
    %dma_start3A_116 = arith.constant 0 : i32
    %dma_start3A_117 = tpu.memref_slice %arg8[%dma_start3A_113, %dma_start3A_114, %dma_start3A_115, %dma_start3A_116] : memref<2x4x16x768xf32, #tpu.memory_space<vmem>> -> memref<1x1x16x768xf32, #tpu.memory_space<vmem>>
    %dma_start3A_118 = tpu.memref_squeeze %dma_start3A_117 : memref<1x1x16x768xf32, #tpu.memory_space<vmem>> -> memref<16x768xf32, #tpu.memory_space<vmem>>
    %dma_start3A_119 = arith.constant 0 : i32
    %dma_start3A_120 = tpu.memref_slice %arg6[%dma_start3A_112, %dma_start3A_119] : memref<4x64xi32, #tpu.memory_space<vmem>> -> memref<1x16xi32, #tpu.memory_space<vmem>>
    %dma_start3A_121 = tpu.memref_squeeze %dma_start3A_120 : memref<1x16xi32, #tpu.memory_space<vmem>> -> memref<16xi32, #tpu.memory_space<vmem>>
    %dma_start3A_122 = arith.constant 0 : i32
    %dma_start3A_123 = arith.constant 0 : i32
    %dma_start3A_124 = tpu.memref_slice %arg3[%dma_start3A_122, %dma_start3A_123] : memref<50257x768xf32, #tpu.memory_space<hbm>> -> memref<50257x768xf32, #tpu.memory_space<hbm>>
    tpu.enqueue_indirect_dma source(%dma_start3A_124 : memref<50257x768xf32, #tpu.memory_space<hbm>>) target(%dma_start3A_118 : memref<16x768xf32, #tpu.memory_space<vmem>>) offsets(%dma_start3A_121 : memref<16xi32, #tpu.memory_space<vmem>>) semaphore(%arg9 : memref<!tpu.dma_semaphore, #tpu.memory_space<semaphore_mem>>)
    %dma_start3A_125 = arith.constant 1 : i32
    %dma_start3A_126 = arith.constant 0 : i32
    %dma_start3A_127 = arith.constant 1 : i32
    %dma_start3A_128 = arith.constant 0 : i32
    %dma_start3A_129 = arith.constant 0 : i32
    %dma_start3A_130 = tpu.memref_slice %arg8[%dma_start3A_126, %dma_start3A_127, %dma_start3A_128, %dma_start3A_129] : memref<2x4x16x768xf32, #tpu.memory_space<vmem>> -> memref<1x1x16x768xf32, #tpu.memory_space<vmem>>
    %dma_start3A_131 = tpu.memref_squeeze %dma_start3A_130 : memref<1x1x16x768xf32, #tpu.memory_space<vmem>> -> memref<16x768xf32, #tpu.memory_space<vmem>>
    %dma_start3A_132 = arith.constant 0 : i32
    %dma_start3A_133 = tpu.memref_slice %arg6[%dma_start3A_125, %dma_start3A_132] : memref<4x64xi32, #tpu.memory_space<vmem>> -> memref<1x16xi32, #tpu.memory_space<vmem>>
    %dma_start3A_134 = tpu.memref_squeeze %dma_start3A_133 : memref<1x16xi32, #tpu.memory_space<vmem>> -> memref<16xi32, #tpu.memory_space<vmem>>
    %dma_start3A_135 = arith.constant 0 : i32
    %dma_start3A_136 = arith.constant 0 : i32
    %dma_start3A_137 = tpu.memref_slice %arg3[%dma_start3A_135, %dma_start3A_136] : memref<50257x768xf32, #tpu.memory_space<hbm>> -> memref<50257x768xf32, #tpu.memory_space<hbm>>
    tpu.enqueue_indirect_dma source(%dma_start3A_137 : memref<50257x768xf32, #tpu.memory_space<hbm>>) target(%dma_start3A_131 : memref<16x768xf32, #tpu.memory_space<vmem>>) offsets(%dma_start3A_134 : memref<16xi32, #tpu.memory_space<vmem>>) semaphore(%arg9 : memref<!tpu.dma_semaphore, #tpu.memory_space<semaphore_mem>>)
    %dma_start3A_138 = arith.constant 2 : i32
    %dma_start3A_139 = arith.constant 0 : i32
    %dma_start3A_140 = arith.constant 2 : i32
    %dma_start3A_141 = arith.constant 0 : i32
    %dma_start3A_142 = arith.constant 0 : i32
    %dma_start3A_143 = tpu.memref_slice %arg8[%dma_start3A_139, %dma_start3A_140, %dma_start3A_141, %dma_start3A_142] : memref<2x4x16x768xf32, #tpu.memory_space<vmem>> -> memref<1x1x16x768xf32, #tpu.memory_space<vmem>>
    %dma_start3A_144 = tpu.memref_squeeze %dma_start3A_143 : memref<1x1x16x768xf32, #tpu.memory_space<vmem>> -> memref<16x768xf32, #tpu.memory_space<vmem>>
    %dma_start3A_145 = arith.constant 0 : i32
    %dma_start3A_146 = tpu.memref_slice %arg6[%dma_start3A_138, %dma_start3A_145] : memref<4x64xi32, #tpu.memory_space<vmem>> -> memref<1x16xi32, #tpu.memory_space<vmem>>
    %dma_start3A_147 = tpu.memref_squeeze %dma_start3A_146 : memref<1x16xi32, #tpu.memory_space<vmem>> -> memref<16xi32, #tpu.memory_space<vmem>>
    %dma_start3A_148 = arith.constant 0 : i32
    %dma_start3A_149 = arith.constant 0 : i32
    %dma_start3A_150 = tpu.memref_slice %arg3[%dma_start3A_148, %dma_start3A_149] : memref<50257x768xf32, #tpu.memory_space<hbm>> -> memref<50257x768xf32, #tpu.memory_space<hbm>>
    tpu.enqueue_indirect_dma source(%dma_start3A_150 : memref<50257x768xf32, #tpu.memory_space<hbm>>) target(%dma_start3A_144 : memref<16x768xf32, #tpu.memory_space<vmem>>) offsets(%dma_start3A_147 : memref<16xi32, #tpu.memory_space<vmem>>) semaphore(%arg9 : memref<!tpu.dma_semaphore, #tpu.memory_space<semaphore_mem>>)
    %dma_start3A_151 = arith.constant 3 : i32
    %dma_start3A_152 = arith.constant 0 : i32
    %dma_start3A_153 = arith.constant 3 : i32
    %dma_start3A_154 = arith.constant 0 : i32
    %dma_start3A_155 = arith.constant 0 : i32
    %dma_start3A_156 = tpu.memref_slice %arg8[%dma_start3A_152, %dma_start3A_153, %dma_start3A_154, %dma_start3A_155] : memref<2x4x16x768xf32, #tpu.memory_space<vmem>> -> memref<1x1x16x768xf32, #tpu.memory_space<vmem>>
    %dma_start3A_157 = tpu.memref_squeeze %dma_start3A_156 : memref<1x1x16x768xf32, #tpu.memory_space<vmem>> -> memref<16x768xf32, #tpu.memory_space<vmem>>
    %dma_start3A_158 = arith.constant 0 : i32
    %dma_start3A_159 = tpu.memref_slice %arg6[%dma_start3A_151, %dma_start3A_158] : memref<4x64xi32, #tpu.memory_space<vmem>> -> memref<1x16xi32, #tpu.memory_space<vmem>>
    %dma_start3A_160 = tpu.memref_squeeze %dma_start3A_159 : memref<1x16xi32, #tpu.memory_space<vmem>> -> memref<16xi32, #tpu.memory_space<vmem>>
    %dma_start3A_161 = arith.constant 0 : i32
    %dma_start3A_162 = arith.constant 0 : i32
    %dma_start3A_163 = tpu.memref_slice %arg3[%dma_start3A_161, %dma_start3A_162] : memref<50257x768xf32, #tpu.memory_space<hbm>> -> memref<50257x768xf32, #tpu.memory_space<hbm>>
    tpu.enqueue_indirect_dma source(%dma_start3A_163 : memref<50257x768xf32, #tpu.memory_space<hbm>>) target(%dma_start3A_157 : memref<16x768xf32, #tpu.memory_space<vmem>>) offsets(%dma_start3A_160 : memref<16xi32, #tpu.memory_space<vmem>>) semaphore(%arg9 : memref<!tpu.dma_semaphore, #tpu.memory_space<semaphore_mem>>)
    %add3A_164 = arith.constant 16 : i32
    %add3A_165 = arith.addi %mul3A_2, %add3A_164 : i32
    %dma_start3A_166 = arith.constant 1 : i32
    %dma_start3A_167 = arith.constant 0 : i32
    %dma_start3A_168 = arith.constant 0 : i32
    %dma_start3A_169 = tpu.memref_slice %arg7[%dma_start3A_166, %dma_start3A_167, %dma_start3A_168] : memref<2x16x768xf32, #tpu.memory_space<vmem>> -> memref<1x16x768xf32, #tpu.memory_space<vmem>>
    %dma_start3A_170 = tpu.memref_squeeze %dma_start3A_169 : memref<1x16x768xf32, #tpu.memory_space<vmem>> -> memref<16x768xf32, #tpu.memory_space<vmem>>
    %dma_start3A_171 = arith.constant 0 : i32
    %dma_start3A_172 = tpu.memref_slice %arg4[%add3A_165, %dma_start3A_171] : memref<2048x768xf32, #tpu.memory_space<hbm>> -> memref<16x768xf32, #tpu.memory_space<hbm>>
    %dma_start3A_173 = arith.constant 0 : i32
    %dma_start3A_174 = arith.constant 0 : i32
    %dma_start3A_175 = tpu.memref_slice %arg7[%dma_start3A_166, %dma_start3A_173, %dma_start3A_174] : memref<2x16x768xf32, #tpu.memory_space<vmem>> -> memref<1x16x768xf32, #tpu.memory_space<vmem>>
    %dma_start3A_176 = tpu.memref_squeeze %dma_start3A_175 : memref<1x16x768xf32, #tpu.memory_space<vmem>> -> memref<16x768xf32, #tpu.memory_space<vmem>>
    %dma_start3A_177 = arith.constant 0 : i32
    %dma_start3A_178 = tpu.memref_slice %arg4[%add3A_165, %dma_start3A_177] : memref<2048x768xf32, #tpu.memory_space<hbm>> -> memref<16x768xf32, #tpu.memory_space<hbm>>
    tpu.enqueue_dma source(%dma_start3A_178 : memref<16x768xf32, #tpu.memory_space<hbm>>) target(%dma_start3A_176 : memref<16x768xf32, #tpu.memory_space<vmem>>) target_semaphore(%arg10 : memref<!tpu.dma_semaphore, #tpu.memory_space<semaphore_mem>>)
    %dma_start3A_179 = arith.constant 0 : i32
    %dma_start3A_180 = arith.constant 1 : i32
    %dma_start3A_181 = arith.constant 0 : i32
    %dma_start3A_182 = arith.constant 0 : i32
    %dma_start3A_183 = arith.constant 0 : i32
    %dma_start3A_184 = tpu.memref_slice %arg8[%dma_start3A_180, %dma_start3A_181, %dma_start3A_182, %dma_start3A_183] : memref<2x4x16x768xf32, #tpu.memory_space<vmem>> -> memref<1x1x16x768xf32, #tpu.memory_space<vmem>>
    %dma_start3A_185 = tpu.memref_squeeze %dma_start3A_184 : memref<1x1x16x768xf32, #tpu.memory_space<vmem>> -> memref<16x768xf32, #tpu.memory_space<vmem>>
    %dma_start3A_186 = arith.constant 16 : i32
    %dma_start3A_187 = tpu.memref_slice %arg6[%dma_start3A_179, %dma_start3A_186] : memref<4x64xi32, #tpu.memory_space<vmem>> -> memref<1x16xi32, #tpu.memory_space<vmem>>
    %dma_start3A_188 = tpu.memref_squeeze %dma_start3A_187 : memref<1x16xi32, #tpu.memory_space<vmem>> -> memref<16xi32, #tpu.memory_space<vmem>>
    %dma_start3A_189 = arith.constant 0 : i32
    %dma_start3A_190 = arith.constant 0 : i32
    %dma_start3A_191 = tpu.memref_slice %arg3[%dma_start3A_189, %dma_start3A_190] : memref<50257x768xf32, #tpu.memory_space<hbm>> -> memref<50257x768xf32, #tpu.memory_space<hbm>>
    tpu.enqueue_indirect_dma source(%dma_start3A_191 : memref<50257x768xf32, #tpu.memory_space<hbm>>) target(%dma_start3A_185 : memref<16x768xf32, #tpu.memory_space<vmem>>) offsets(%dma_start3A_188 : memref<16xi32, #tpu.memory_space<vmem>>) semaphore(%arg9 : memref<!tpu.dma_semaphore, #tpu.memory_space<semaphore_mem>>)
    %dma_start3A_192 = arith.constant 1 : i32
    %dma_start3A_193 = arith.constant 1 : i32
    %dma_start3A_194 = arith.constant 1 : i32
    %dma_start3A_195 = arith.constant 0 : i32
    %dma_start3A_196 = arith.constant 0 : i32
    %dma_start3A_197 = tpu.memref_slice %arg8[%dma_start3A_193, %dma_start3A_194, %dma_start3A_195, %dma_start3A_196] : memref<2x4x16x768xf32, #tpu.memory_space<vmem>> -> memref<1x1x16x768xf32, #tpu.memory_space<vmem>>
    %dma_start3A_198 = tpu.memref_squeeze %dma_start3A_197 : memref<1x1x16x768xf32, #tpu.memory_space<vmem>> -> memref<16x768xf32, #tpu.memory_space<vmem>>
    %dma_start3A_199 = arith.constant 16 : i32
    %dma_start3A_200 = tpu.memref_slice %arg6[%dma_start3A_192, %dma_start3A_199] : memref<4x64xi32, #tpu.memory_space<vmem>> -> memref<1x16xi32, #tpu.memory_space<vmem>>
    %dma_start3A_201 = tpu.memref_squeeze %dma_start3A_200 : memref<1x16xi32, #tpu.memory_space<vmem>> -> memref<16xi32, #tpu.memory_space<vmem>>
    %dma_start3A_202 = arith.constant 0 : i32
    %dma_start3A_203 = arith.constant 0 : i32
    %dma_start3A_204 = tpu.memref_slice %arg3[%dma_start3A_202, %dma_start3A_203] : memref<50257x768xf32, #tpu.memory_space<hbm>> -> memref<50257x768xf32, #tpu.memory_space<hbm>>
    tpu.enqueue_indirect_dma source(%dma_start3A_204 : memref<50257x768xf32, #tpu.memory_space<hbm>>) target(%dma_start3A_198 : memref<16x768xf32, #tpu.memory_space<vmem>>) offsets(%dma_start3A_201 : memref<16xi32, #tpu.memory_space<vmem>>) semaphore(%arg9 : memref<!tpu.dma_semaphore, #tpu.memory_space<semaphore_mem>>)
    %dma_start3A_205 = arith.constant 2 : i32
    %dma_start3A_206 = arith.constant 1 : i32
    %dma_start3A_207 = arith.constant 2 : i32
    %dma_start3A_208 = arith.constant 0 : i32
    %dma_start3A_209 = arith.constant 0 : i32
    %dma_start3A_210 = tpu.memref_slice %arg8[%dma_start3A_206, %dma_start3A_207, %dma_start3A_208, %dma_start3A_209] : memref<2x4x16x768xf32, #tpu.memory_space<vmem>> -> memref<1x1x16x768xf32, #tpu.memory_space<vmem>>
    %dma_start3A_211 = tpu.memref_squeeze %dma_start3A_210 : memref<1x1x16x768xf32, #tpu.memory_space<vmem>> -> memref<16x768xf32, #tpu.memory_space<vmem>>
    %dma_start3A_212 = arith.constant 16 : i32
    %dma_start3A_213 = tpu.memref_slice %arg6[%dma_start3A_205, %dma_start3A_212] : memref<4x64xi32, #tpu.memory_space<vmem>> -> memref<1x16xi32, #tpu.memory_space<vmem>>
    %dma_start3A_214 = tpu.memref_squeeze %dma_start3A_213 : memref<1x16xi32, #tpu.memory_space<vmem>> -> memref<16xi32, #tpu.memory_space<vmem>>
    %dma_start3A_215 = arith.constant 0 : i32
    %dma_start3A_216 = arith.constant 0 : i32
    %dma_start3A_217 = tpu.memref_slice %arg3[%dma_start3A_215, %dma_start3A_216] : memref<50257x768xf32, #tpu.memory_space<hbm>> -> memref<50257x768xf32, #tpu.memory_space<hbm>>
    tpu.enqueue_indirect_dma source(%dma_start3A_217 : memref<50257x768xf32, #tpu.memory_space<hbm>>) target(%dma_start3A_211 : memref<16x768xf32, #tpu.memory_space<vmem>>) offsets(%dma_start3A_214 : memref<16xi32, #tpu.memory_space<vmem>>) semaphore(%arg9 : memref<!tpu.dma_semaphore, #tpu.memory_space<semaphore_mem>>)
    %dma_start3A_218 = arith.constant 3 : i32
    %dma_start3A_219 = arith.constant 1 : i32
    %dma_start3A_220 = arith.constant 3 : i32
    %dma_start3A_221 = arith.constant 0 : i32
    %dma_start3A_222 = arith.constant 0 : i32
    %dma_start3A_223 = tpu.memref_slice %arg8[%dma_start3A_219, %dma_start3A_220, %dma_start3A_221, %dma_start3A_222] : memref<2x4x16x768xf32, #tpu.memory_space<vmem>> -> memref<1x1x16x768xf32, #tpu.memory_space<vmem>>
    %dma_start3A_224 = tpu.memref_squeeze %dma_start3A_223 : memref<1x1x16x768xf32, #tpu.memory_space<vmem>> -> memref<16x768xf32, #tpu.memory_space<vmem>>
    %dma_start3A_225 = arith.constant 16 : i32
    %dma_start3A_226 = tpu.memref_slice %arg6[%dma_start3A_218, %dma_start3A_225] : memref<4x64xi32, #tpu.memory_space<vmem>> -> memref<1x16xi32, #tpu.memory_space<vmem>>
    %dma_start3A_227 = tpu.memref_squeeze %dma_start3A_226 : memref<1x16xi32, #tpu.memory_space<vmem>> -> memref<16xi32, #tpu.memory_space<vmem>>
    %dma_start3A_228 = arith.constant 0 : i32
    %dma_start3A_229 = arith.constant 0 : i32
    %dma_start3A_230 = tpu.memref_slice %arg3[%dma_start3A_228, %dma_start3A_229] : memref<50257x768xf32, #tpu.memory_space<hbm>> -> memref<50257x768xf32, #tpu.memory_space<hbm>>
    tpu.enqueue_indirect_dma source(%dma_start3A_230 : memref<50257x768xf32, #tpu.memory_space<hbm>>) target(%dma_start3A_224 : memref<16x768xf32, #tpu.memory_space<vmem>>) offsets(%dma_start3A_227 : memref<16xi32, #tpu.memory_space<vmem>>) semaphore(%arg9 : memref<!tpu.dma_semaphore, #tpu.memory_space<semaphore_mem>>)
    %dma_wait3A_231 = arith.constant 0 : i32
    %dma_wait3A_232 = arith.constant 0 : i32
    %dma_wait3A_233 = arith.constant 0 : i32
    %dma_wait3A_234 = tpu.memref_slice %arg7[%dma_wait3A_231, %dma_wait3A_232, %dma_wait3A_233] : memref<2x16x768xf32, #tpu.memory_space<vmem>> -> memref<1x16x768xf32, #tpu.memory_space<vmem>>
    %dma_wait3A_235 = tpu.memref_squeeze %dma_wait3A_234 : memref<1x16x768xf32, #tpu.memory_space<vmem>> -> memref<16x768xf32, #tpu.memory_space<vmem>>
    %dma_wait3A_236 = arith.constant 0 : i32
    %dma_wait3A_237 = tpu.memref_slice %arg4[%add3A_98, %dma_wait3A_236] : memref<2048x768xf32, #tpu.memory_space<hbm>> -> memref<16x768xf32, #tpu.memory_space<hbm>>
    %dma_wait3A_238 = arith.constant 0 : i32
    %dma_wait3A_239 = arith.constant 0 : i32
    %dma_wait3A_240 = tpu.memref_slice %arg7[%dma_wait3A_231, %dma_wait3A_238, %dma_wait3A_239] : memref<2x16x768xf32, #tpu.memory_space<vmem>> -> memref<1x16x768xf32, #tpu.memory_space<vmem>>
    %dma_wait3A_241 = tpu.memref_squeeze %dma_wait3A_240 : memref<1x16x768xf32, #tpu.memory_space<vmem>> -> memref<16x768xf32, #tpu.memory_space<vmem>>
    %dma_wait3A_242 = arith.constant 0 : i32
    %dma_wait3A_243 = tpu.memref_slice %arg4[%add3A_98, %dma_wait3A_242] : memref<2048x768xf32, #tpu.memory_space<hbm>> -> memref<16x768xf32, #tpu.memory_space<hbm>>
    tpu.wait_dma2 semaphore(%arg10 : memref<!tpu.dma_semaphore, #tpu.memory_space<semaphore_mem>>) src(%dma_wait3A_243 : memref<16x768xf32, #tpu.memory_space<hbm>>) dst(%dma_wait3A_241 : memref<16x768xf32, #tpu.memory_space<vmem>>)
    %dma_wait3A_244 = arith.constant 0 : i32
    %dma_wait3A_245 = arith.constant 0 : i32
    %dma_wait3A_246 = arith.constant 0 : i32
    %dma_wait3A_247 = arith.constant 0 : i32
    %dma_wait3A_248 = arith.constant 0 : i32
    %dma_wait3A_249 = tpu.memref_slice %arg8[%dma_wait3A_245, %dma_wait3A_246, %dma_wait3A_247, %dma_wait3A_248] : memref<2x4x16x768xf32, #tpu.memory_space<vmem>> -> memref<1x1x16x768xf32, #tpu.memory_space<vmem>>
    %dma_wait3A_250 = tpu.memref_squeeze %dma_wait3A_249 : memref<1x1x16x768xf32, #tpu.memory_space<vmem>> -> memref<16x768xf32, #tpu.memory_space<vmem>>
    %dma_wait3A_251 = arith.constant 0 : i32
    %dma_wait3A_252 = tpu.memref_slice %arg6[%dma_wait3A_244, %dma_wait3A_251] : memref<4x64xi32, #tpu.memory_space<vmem>> -> memref<1x16xi32, #tpu.memory_space<vmem>>
    %dma_wait3A_253 = tpu.memref_squeeze %dma_wait3A_252 : memref<1x16xi32, #tpu.memory_space<vmem>> -> memref<16xi32, #tpu.memory_space<vmem>>
    %dma_wait3A_254 = arith.constant 0 : i32
    %dma_wait3A_255 = arith.constant 0 : i32
    %dma_wait3A_256 = tpu.memref_slice %arg3[%dma_wait3A_254, %dma_wait3A_255] : memref<50257x768xf32, #tpu.memory_space<hbm>> -> memref<50257x768xf32, #tpu.memory_space<hbm>>
    tpu.wait_indirect_dma semaphore(%arg9 : memref<!tpu.dma_semaphore, #tpu.memory_space<semaphore_mem>>) src(%dma_wait3A_256 : memref<50257x768xf32, #tpu.memory_space<hbm>>) dst(%dma_wait3A_250 : memref<16x768xf32, #tpu.memory_space<vmem>>)
    %dma_wait3A_257 = arith.constant 1 : i32
    %dma_wait3A_258 = arith.constant 0 : i32
    %dma_wait3A_259 = arith.constant 1 : i32
    %dma_wait3A_260 = arith.constant 0 : i32
    %dma_wait3A_261 = arith.constant 0 : i32
    %dma_wait3A_262 = tpu.memref_slice %arg8[%dma_wait3A_258, %dma_wait3A_259, %dma_wait3A_260, %dma_wait3A_261] : memref<2x4x16x768xf32, #tpu.memory_space<vmem>> -> memref<1x1x16x768xf32, #tpu.memory_space<vmem>>
    %dma_wait3A_263 = tpu.memref_squeeze %dma_wait3A_262 : memref<1x1x16x768xf32, #tpu.memory_space<vmem>> -> memref<16x768xf32, #tpu.memory_space<vmem>>
    %dma_wait3A_264 = arith.constant 0 : i32
    %dma_wait3A_265 = tpu.memref_slice %arg6[%dma_wait3A_257, %dma_wait3A_264] : memref<4x64xi32, #tpu.memory_space<vmem>> -> memref<1x16xi32, #tpu.memory_space<vmem>>
    %dma_wait3A_266 = tpu.memref_squeeze %dma_wait3A_265 : memref<1x16xi32, #tpu.memory_space<vmem>> -> memref<16xi32, #tpu.memory_space<vmem>>
    %dma_wait3A_267 = arith.constant 0 : i32
    %dma_wait3A_268 = arith.constant 0 : i32
    %dma_wait3A_269 = tpu.memref_slice %arg3[%dma_wait3A_267, %dma_wait3A_268] : memref<50257x768xf32, #tpu.memory_space<hbm>> -> memref<50257x768xf32, #tpu.memory_space<hbm>>
    tpu.wait_indirect_dma semaphore(%arg9 : memref<!tpu.dma_semaphore, #tpu.memory_space<semaphore_mem>>) src(%dma_wait3A_269 : memref<50257x768xf32, #tpu.memory_space<hbm>>) dst(%dma_wait3A_263 : memref<16x768xf32, #tpu.memory_space<vmem>>)
    %dma_wait3A_270 = arith.constant 2 : i32
    %dma_wait3A_271 = arith.constant 0 : i32
    %dma_wait3A_272 = arith.constant 2 : i32
    %dma_wait3A_273 = arith.constant 0 : i32
    %dma_wait3A_274 = arith.constant 0 : i32
    %dma_wait3A_275 = tpu.memref_slice %arg8[%dma_wait3A_271, %dma_wait3A_272, %dma_wait3A_273, %dma_wait3A_274] : memref<2x4x16x768xf32, #tpu.memory_space<vmem>> -> memref<1x1x16x768xf32, #tpu.memory_space<vmem>>
    %dma_wait3A_276 = tpu.memref_squeeze %dma_wait3A_275 : memref<1x1x16x768xf32, #tpu.memory_space<vmem>> -> memref<16x768xf32, #tpu.memory_space<vmem>>
    %dma_wait3A_277 = arith.constant 0 : i32
    %dma_wait3A_278 = tpu.memref_slice %arg6[%dma_wait3A_270, %dma_wait3A_277] : memref<4x64xi32, #tpu.memory_space<vmem>> -> memref<1x16xi32, #tpu.memory_space<vmem>>
    %dma_wait3A_279 = tpu.memref_squeeze %dma_wait3A_278 : memref<1x16xi32, #tpu.memory_space<vmem>> -> memref<16xi32, #tpu.memory_space<vmem>>
    %dma_wait3A_280 = arith.constant 0 : i32
    %dma_wait3A_281 = arith.constant 0 : i32
    %dma_wait3A_282 = tpu.memref_slice %arg3[%dma_wait3A_280, %dma_wait3A_281] : memref<50257x768xf32, #tpu.memory_space<hbm>> -> memref<50257x768xf32, #tpu.memory_space<hbm>>
    tpu.wait_indirect_dma semaphore(%arg9 : memref<!tpu.dma_semaphore, #tpu.memory_space<semaphore_mem>>) src(%dma_wait3A_282 : memref<50257x768xf32, #tpu.memory_space<hbm>>) dst(%dma_wait3A_276 : memref<16x768xf32, #tpu.memory_space<vmem>>)
    %dma_wait3A_283 = arith.constant 3 : i32
    %dma_wait3A_284 = arith.constant 0 : i32
    %dma_wait3A_285 = arith.constant 3 : i32
    %dma_wait3A_286 = arith.constant 0 : i32
    %dma_wait3A_287 = arith.constant 0 : i32
    %dma_wait3A_288 = tpu.memref_slice %arg8[%dma_wait3A_284, %dma_wait3A_285, %dma_wait3A_286, %dma_wait3A_287] : memref<2x4x16x768xf32, #tpu.memory_space<vmem>> -> memref<1x1x16x768xf32, #tpu.memory_space<vmem>>
    %dma_wait3A_289 = tpu.memref_squeeze %dma_wait3A_288 : memref<1x1x16x768xf32, #tpu.memory_space<vmem>> -> memref<16x768xf32, #tpu.memory_space<vmem>>
    %dma_wait3A_290 = arith.constant 0 : i32
    %dma_wait3A_291 = tpu.memref_slice %arg6[%dma_wait3A_283, %dma_wait3A_290] : memref<4x64xi32, #tpu.memory_space<vmem>> -> memref<1x16xi32, #tpu.memory_space<vmem>>
    %dma_wait3A_292 = tpu.memref_squeeze %dma_wait3A_291 : memref<1x16xi32, #tpu.memory_space<vmem>> -> memref<16xi32, #tpu.memory_space<vmem>>
    %dma_wait3A_293 = arith.constant 0 : i32
    %dma_wait3A_294 = arith.constant 0 : i32
    %dma_wait3A_295 = tpu.memref_slice %arg3[%dma_wait3A_293, %dma_wait3A_294] : memref<50257x768xf32, #tpu.memory_space<hbm>> -> memref<50257x768xf32, #tpu.memory_space<hbm>>
    tpu.wait_indirect_dma semaphore(%arg9 : memref<!tpu.dma_semaphore, #tpu.memory_space<semaphore_mem>>) src(%dma_wait3A_295 : memref<50257x768xf32, #tpu.memory_space<hbm>>) dst(%dma_wait3A_289 : memref<16x768xf32, #tpu.memory_space<vmem>>)
    %add3A_296 = arith.constant 0 : i32
    %add3A_297 = arith.addi %add3A_296, %mul3A_2 : i32
    %add3A_298 = arith.constant 0 : i32
    %add3A_299 = arith.addi %add3A_297, %add3A_298 : i32
    %dma_start3A_300 = arith.constant 0 : i32
    %dma_start3A_301 = arith.constant 0 : i32
    %dma_start3A_302 = arith.constant 0 : i32
    %dma_start3A_303 = arith.constant 0 : i32
    %dma_start3A_304 = tpu.memref_slice %arg8[%dma_start3A_300, %dma_start3A_301, %dma_start3A_302, %dma_start3A_303] : memref<2x4x16x768xf32, #tpu.memory_space<vmem>> -> memref<1x1x16x768xf32, #tpu.memory_space<vmem>>
    %dma_start3A_305 = tpu.memref_squeeze %dma_start3A_304 : memref<1x1x16x768xf32, #tpu.memory_space<vmem>> -> memref<16x768xf32, #tpu.memory_space<vmem>>
    %dma_start3A_306 = arith.constant 0 : i32
    %dma_start3A_307 = tpu.memref_slice %arg5[%add3A_299, %dma_start3A_306] : memref<8192x768xf32, #tpu.memory_space<hbm>> -> memref<16x768xf32, #tpu.memory_space<hbm>>
    %dma_start3A_308 = arith.constant 0 : i32
    %dma_start3A_309 = tpu.memref_slice %arg5[%add3A_299, %dma_start3A_308] : memref<8192x768xf32, #tpu.memory_space<hbm>> -> memref<16x768xf32, #tpu.memory_space<hbm>>
    %dma_start3A_310 = arith.constant 0 : i32
    %dma_start3A_311 = arith.constant 0 : i32
    %dma_start3A_312 = tpu.memref_slice %arg8[%dma_start3A_300, %dma_start3A_301, %dma_start3A_310, %dma_start3A_311] : memref<2x4x16x768xf32, #tpu.memory_space<vmem>> -> memref<1x1x16x768xf32, #tpu.memory_space<vmem>>
    %dma_start3A_313 = tpu.memref_squeeze %dma_start3A_312 : memref<1x1x16x768xf32, #tpu.memory_space<vmem>> -> memref<16x768xf32, #tpu.memory_space<vmem>>
    tpu.enqueue_dma source(%dma_start3A_313 : memref<16x768xf32, #tpu.memory_space<vmem>>) target(%dma_start3A_309 : memref<16x768xf32, #tpu.memory_space<hbm>>) target_semaphore(%arg11 : memref<!tpu.dma_semaphore, #tpu.memory_space<semaphore_mem>>)
    %add3A_314 = arith.constant 2048 : i32
    %add3A_315 = arith.addi %add3A_314, %mul3A_2 : i32
    %add3A_316 = arith.constant 0 : i32
    %add3A_317 = arith.addi %add3A_315, %add3A_316 : i32
    %dma_start3A_318 = arith.constant 0 : i32
    %dma_start3A_319 = arith.constant 1 : i32
    %dma_start3A_320 = arith.constant 0 : i32
    %dma_start3A_321 = arith.constant 0 : i32
    %dma_start3A_322 = tpu.memref_slice %arg8[%dma_start3A_318, %dma_start3A_319, %dma_start3A_320, %dma_start3A_321] : memref<2x4x16x768xf32, #tpu.memory_space<vmem>> -> memref<1x1x16x768xf32, #tpu.memory_space<vmem>>
    %dma_start3A_323 = tpu.memref_squeeze %dma_start3A_322 : memref<1x1x16x768xf32, #tpu.memory_space<vmem>> -> memref<16x768xf32, #tpu.memory_space<vmem>>
    %dma_start3A_324 = arith.constant 0 : i32
    %dma_start3A_325 = tpu.memref_slice %arg5[%add3A_317, %dma_start3A_324] : memref<8192x768xf32, #tpu.memory_space<hbm>> -> memref<16x768xf32, #tpu.memory_space<hbm>>
    %dma_start3A_326 = arith.constant 0 : i32
    %dma_start3A_327 = tpu.memref_slice %arg5[%add3A_317, %dma_start3A_326] : memref<8192x768xf32, #tpu.memory_space<hbm>> -> memref<16x768xf32, #tpu.memory_space<hbm>>
    %dma_start3A_328 = arith.constant 0 : i32
    %dma_start3A_329 = arith.constant 0 : i32
    %dma_start3A_330 = tpu.memref_slice %arg8[%dma_start3A_318, %dma_start3A_319, %dma_start3A_328, %dma_start3A_329] : memref<2x4x16x768xf32, #tpu.memory_space<vmem>> -> memref<1x1x16x768xf32, #tpu.memory_space<vmem>>
    %dma_start3A_331 = tpu.memref_squeeze %dma_start3A_330 : memref<1x1x16x768xf32, #tpu.memory_space<vmem>> -> memref<16x768xf32, #tpu.memory_space<vmem>>
    tpu.enqueue_dma source(%dma_start3A_331 : memref<16x768xf32, #tpu.memory_space<vmem>>) target(%dma_start3A_327 : memref<16x768xf32, #tpu.memory_space<hbm>>) target_semaphore(%arg11 : memref<!tpu.dma_semaphore, #tpu.memory_space<semaphore_mem>>)
    %add3A_332 = arith.constant 4096 : i32
    %add3A_333 = arith.addi %add3A_332, %mul3A_2 : i32
    %add3A_334 = arith.constant 0 : i32
    %add3A_335 = arith.addi %add3A_333, %add3A_334 : i32
    %dma_start3A_336 = arith.constant 0 : i32
    %dma_start3A_337 = arith.constant 2 : i32
    %dma_start3A_338 = arith.constant 0 : i32
    %dma_start3A_339 = arith.constant 0 : i32
    %dma_start3A_340 = tpu.memref_slice %arg8[%dma_start3A_336, %dma_start3A_337, %dma_start3A_338, %dma_start3A_339] : memref<2x4x16x768xf32, #tpu.memory_space<vmem>> -> memref<1x1x16x768xf32, #tpu.memory_space<vmem>>
    %dma_start3A_341 = tpu.memref_squeeze %dma_start3A_340 : memref<1x1x16x768xf32, #tpu.memory_space<vmem>> -> memref<16x768xf32, #tpu.memory_space<vmem>>
    %dma_start3A_342 = arith.constant 0 : i32
    %dma_start3A_343 = tpu.memref_slice %arg5[%add3A_335, %dma_start3A_342] : memref<8192x768xf32, #tpu.memory_space<hbm>> -> memref<16x768xf32, #tpu.memory_space<hbm>>
    %dma_start3A_344 = arith.constant 0 : i32
    %dma_start3A_345 = tpu.memref_slice %arg5[%add3A_335, %dma_start3A_344] : memref<8192x768xf32, #tpu.memory_space<hbm>> -> memref<16x768xf32, #tpu.memory_space<hbm>>
    %dma_start3A_346 = arith.constant 0 : i32
    %dma_start3A_347 = arith.constant 0 : i32
    %dma_start3A_348 = tpu.memref_slice %arg8[%dma_start3A_336, %dma_start3A_337, %dma_start3A_346, %dma_start3A_347] : memref<2x4x16x768xf32, #tpu.memory_space<vmem>> -> memref<1x1x16x768xf32, #tpu.memory_space<vmem>>
    %dma_start3A_349 = tpu.memref_squeeze %dma_start3A_348 : memref<1x1x16x768xf32, #tpu.memory_space<vmem>> -> memref<16x768xf32, #tpu.memory_space<vmem>>
    tpu.enqueue_dma source(%dma_start3A_349 : memref<16x768xf32, #tpu.memory_space<vmem>>) target(%dma_start3A_345 : memref<16x768xf32, #tpu.memory_space<hbm>>) target_semaphore(%arg11 : memref<!tpu.dma_semaphore, #tpu.memory_space<semaphore_mem>>)
    %add3A_350 = arith.constant 6144 : i32
    %add3A_351 = arith.addi %add3A_350, %mul3A_2 : i32
    %add3A_352 = arith.constant 0 : i32
    %add3A_353 = arith.addi %add3A_351, %add3A_352 : i32
    %dma_start3A_354 = arith.constant 0 : i32
    %dma_start3A_355 = arith.constant 3 : i32
    %dma_start3A_356 = arith.constant 0 : i32
    %dma_start3A_357 = arith.constant 0 : i32
    %dma_start3A_358 = tpu.memref_slice %arg8[%dma_start3A_354, %dma_start3A_355, %dma_start3A_356, %dma_start3A_357] : memref<2x4x16x768xf32, #tpu.memory_space<vmem>> -> memref<1x1x16x768xf32, #tpu.memory_space<vmem>>
    %dma_start3A_359 = tpu.memref_squeeze %dma_start3A_358 : memref<1x1x16x768xf32, #tpu.memory_space<vmem>> -> memref<16x768xf32, #tpu.memory_space<vmem>>
    %dma_start3A_360 = arith.constant 0 : i32
    %dma_start3A_361 = tpu.memref_slice %arg5[%add3A_353, %dma_start3A_360] : memref<8192x768xf32, #tpu.memory_space<hbm>> -> memref<16x768xf32, #tpu.memory_space<hbm>>
    %dma_start3A_362 = arith.constant 0 : i32
    %dma_start3A_363 = tpu.memref_slice %arg5[%add3A_353, %dma_start3A_362] : memref<8192x768xf32, #tpu.memory_space<hbm>> -> memref<16x768xf32, #tpu.memory_space<hbm>>
    %dma_start3A_364 = arith.constant 0 : i32
    %dma_start3A_365 = arith.constant 0 : i32
    %dma_start3A_366 = tpu.memref_slice %arg8[%dma_start3A_354, %dma_start3A_355, %dma_start3A_364, %dma_start3A_365] : memref<2x4x16x768xf32, #tpu.memory_space<vmem>> -> memref<1x1x16x768xf32, #tpu.memory_space<vmem>>
    %dma_start3A_367 = tpu.memref_squeeze %dma_start3A_366 : memref<1x1x16x768xf32, #tpu.memory_space<vmem>> -> memref<16x768xf32, #tpu.memory_space<vmem>>
    tpu.enqueue_dma source(%dma_start3A_367 : memref<16x768xf32, #tpu.memory_space<vmem>>) target(%dma_start3A_363 : memref<16x768xf32, #tpu.memory_space<hbm>>) target_semaphore(%arg11 : memref<!tpu.dma_semaphore, #tpu.memory_space<semaphore_mem>>)
    %dma_wait3A_368 = arith.constant 0 : i32
    %dma_wait3A_369 = arith.constant 0 : i32
    %dma_wait3A_370 = arith.constant 0 : i32
    %dma_wait3A_371 = arith.constant 0 : i32
    %dma_wait3A_372 = tpu.memref_slice %arg8[%dma_wait3A_368, %dma_wait3A_369, %dma_wait3A_370, %dma_wait3A_371] : memref<2x4x16x768xf32, #tpu.memory_space<vmem>> -> memref<1x1x16x768xf32, #tpu.memory_space<vmem>>
    %dma_wait3A_373 = tpu.memref_squeeze %dma_wait3A_372 : memref<1x1x16x768xf32, #tpu.memory_space<vmem>> -> memref<16x768xf32, #tpu.memory_space<vmem>>
    %dma_wait3A_374 = arith.constant 0 : i32
    %dma_wait3A_375 = tpu.memref_slice %arg5[%add3A_299, %dma_wait3A_374] : memref<8192x768xf32, #tpu.memory_space<hbm>> -> memref<16x768xf32, #tpu.memory_space<hbm>>
    %dma_wait3A_376 = arith.constant 0 : i32
    %dma_wait3A_377 = tpu.memref_slice %arg5[%add3A_299, %dma_wait3A_376] : memref<8192x768xf32, #tpu.memory_space<hbm>> -> memref<16x768xf32, #tpu.memory_space<hbm>>
    %dma_wait3A_378 = arith.constant 0 : i32
    %dma_wait3A_379 = arith.constant 0 : i32
    %dma_wait3A_380 = tpu.memref_slice %arg8[%dma_wait3A_368, %dma_wait3A_369, %dma_wait3A_378, %dma_wait3A_379] : memref<2x4x16x768xf32, #tpu.memory_space<vmem>> -> memref<1x1x16x768xf32, #tpu.memory_space<vmem>>
    %dma_wait3A_381 = tpu.memref_squeeze %dma_wait3A_380 : memref<1x1x16x768xf32, #tpu.memory_space<vmem>> -> memref<16x768xf32, #tpu.memory_space<vmem>>
    tpu.wait_dma2 semaphore(%arg11 : memref<!tpu.dma_semaphore, #tpu.memory_space<semaphore_mem>>) src(%dma_wait3A_381 : memref<16x768xf32, #tpu.memory_space<vmem>>) dst(%dma_wait3A_377 : memref<16x768xf32, #tpu.memory_space<hbm>>)
    %dma_wait3A_382 = arith.constant 0 : i32
    %dma_wait3A_383 = arith.constant 1 : i32
    %dma_wait3A_384 = arith.constant 0 : i32
    %dma_wait3A_385 = arith.constant 0 : i32
    %dma_wait3A_386 = tpu.memref_slice %arg8[%dma_wait3A_382, %dma_wait3A_383, %dma_wait3A_384, %dma_wait3A_385] : memref<2x4x16x768xf32, #tpu.memory_space<vmem>> -> memref<1x1x16x768xf32, #tpu.memory_space<vmem>>
    %dma_wait3A_387 = tpu.memref_squeeze %dma_wait3A_386 : memref<1x1x16x768xf32, #tpu.memory_space<vmem>> -> memref<16x768xf32, #tpu.memory_space<vmem>>
    %dma_wait3A_388 = arith.constant 0 : i32
    %dma_wait3A_389 = tpu.memref_slice %arg5[%add3A_317, %dma_wait3A_388] : memref<8192x768xf32, #tpu.memory_space<hbm>> -> memref<16x768xf32, #tpu.memory_space<hbm>>
    %dma_wait3A_390 = arith.constant 0 : i32
    %dma_wait3A_391 = tpu.memref_slice %arg5[%add3A_317, %dma_wait3A_390] : memref<8192x768xf32, #tpu.memory_space<hbm>> -> memref<16x768xf32, #tpu.memory_space<hbm>>
    %dma_wait3A_392 = arith.constant 0 : i32
    %dma_wait3A_393 = arith.constant 0 : i32
    %dma_wait3A_394 = tpu.memref_slice %arg8[%dma_wait3A_382, %dma_wait3A_383, %dma_wait3A_392, %dma_wait3A_393] : memref<2x4x16x768xf32, #tpu.memory_space<vmem>> -> memref<1x1x16x768xf32, #tpu.memory_space<vmem>>
    %dma_wait3A_395 = tpu.memref_squeeze %dma_wait3A_394 : memref<1x1x16x768xf32, #tpu.memory_space<vmem>> -> memref<16x768xf32, #tpu.memory_space<vmem>>
    tpu.wait_dma2 semaphore(%arg11 : memref<!tpu.dma_semaphore, #tpu.memory_space<semaphore_mem>>) src(%dma_wait3A_395 : memref<16x768xf32, #tpu.memory_space<vmem>>) dst(%dma_wait3A_391 : memref<16x768xf32, #tpu.memory_space<hbm>>)
    %dma_wait3A_396 = arith.constant 0 : i32
    %dma_wait3A_397 = arith.constant 2 : i32
    %dma_wait3A_398 = arith.constant 0 : i32
    %dma_wait3A_399 = arith.constant 0 : i32
    %dma_wait3A_400 = tpu.memref_slice %arg8[%dma_wait3A_396, %dma_wait3A_397, %dma_wait3A_398, %dma_wait3A_399] : memref<2x4x16x768xf32, #tpu.memory_space<vmem>> -> memref<1x1x16x768xf32, #tpu.memory_space<vmem>>
    %dma_wait3A_401 = tpu.memref_squeeze %dma_wait3A_400 : memref<1x1x16x768xf32, #tpu.memory_space<vmem>> -> memref<16x768xf32, #tpu.memory_space<vmem>>
    %dma_wait3A_402 = arith.constant 0 : i32
    %dma_wait3A_403 = tpu.memref_slice %arg5[%add3A_335, %dma_wait3A_402] : memref<8192x768xf32, #tpu.memory_space<hbm>> -> memref<16x768xf32, #tpu.memory_space<hbm>>
    %dma_wait3A_404 = arith.constant 0 : i32
    %dma_wait3A_405 = tpu.memref_slice %arg5[%add3A_335, %dma_wait3A_404] : memref<8192x768xf32, #tpu.memory_space<hbm>> -> memref<16x768xf32, #tpu.memory_space<hbm>>
    %dma_wait3A_406 = arith.constant 0 : i32
    %dma_wait3A_407 = arith.constant 0 : i32
    %dma_wait3A_408 = tpu.memref_slice %arg8[%dma_wait3A_396, %dma_wait3A_397, %dma_wait3A_406, %dma_wait3A_407] : memref<2x4x16x768xf32, #tpu.memory_space<vmem>> -> memref<1x1x16x768xf32, #tpu.memory_space<vmem>>
    %dma_wait3A_409 = tpu.memref_squeeze %dma_wait3A_408 : memref<1x1x16x768xf32, #tpu.memory_space<vmem>> -> memref<16x768xf32, #tpu.memory_space<vmem>>
    tpu.wait_dma2 semaphore(%arg11 : memref<!tpu.dma_semaphore, #tpu.memory_space<semaphore_mem>>) src(%dma_wait3A_409 : memref<16x768xf32, #tpu.memory_space<vmem>>) dst(%dma_wait3A_405 : memref<16x768xf32, #tpu.memory_space<hbm>>)
    %dma_wait3A_410 = arith.constant 0 : i32
    %dma_wait3A_411 = arith.constant 3 : i32
    %dma_wait3A_412 = arith.constant 0 : i32
    %dma_wait3A_413 = arith.constant 0 : i32
    %dma_wait3A_414 = tpu.memref_slice %arg8[%dma_wait3A_410, %dma_wait3A_411, %dma_wait3A_412, %dma_wait3A_413] : memref<2x4x16x768xf32, #tpu.memory_space<vmem>> -> memref<1x1x16x768xf32, #tpu.memory_space<vmem>>
    %dma_wait3A_415 = tpu.memref_squeeze %dma_wait3A_414 : memref<1x1x16x768xf32, #tpu.memory_space<vmem>> -> memref<16x768xf32, #tpu.memory_space<vmem>>
    %dma_wait3A_416 = arith.constant 0 : i32
    %dma_wait3A_417 = tpu.memref_slice %arg5[%add3A_353, %dma_wait3A_416] : memref<8192x768xf32, #tpu.memory_space<hbm>> -> memref<16x768xf32, #tpu.memory_space<hbm>>
    %dma_wait3A_418 = arith.constant 0 : i32
    %dma_wait3A_419 = tpu.memref_slice %arg5[%add3A_353, %dma_wait3A_418] : memref<8192x768xf32, #tpu.memory_space<hbm>> -> memref<16x768xf32, #tpu.memory_space<hbm>>
    %dma_wait3A_420 = arith.constant 0 : i32
    %dma_wait3A_421 = arith.constant 0 : i32
    %dma_wait3A_422 = tpu.memref_slice %arg8[%dma_wait3A_410, %dma_wait3A_411, %dma_wait3A_420, %dma_wait3A_421] : memref<2x4x16x768xf32, #tpu.memory_space<vmem>> -> memref<1x1x16x768xf32, #tpu.memory_space<vmem>>
    %dma_wait3A_423 = tpu.memref_squeeze %dma_wait3A_422 : memref<1x1x16x768xf32, #tpu.memory_space<vmem>> -> memref<16x768xf32, #tpu.memory_space<vmem>>
    tpu.wait_dma2 semaphore(%arg11 : memref<!tpu.dma_semaphore, #tpu.memory_space<semaphore_mem>>) src(%dma_wait3A_423 : memref<16x768xf32, #tpu.memory_space<vmem>>) dst(%dma_wait3A_419 : memref<16x768xf32, #tpu.memory_space<hbm>>)
    %add3A_424 = arith.constant 32 : i32
    %add3A_425 = arith.addi %mul3A_2, %add3A_424 : i32
    %dma_start3A_426 = arith.constant 0 : i32
    %dma_start3A_427 = arith.constant 0 : i32
    %dma_start3A_428 = arith.constant 0 : i32
    %dma_start3A_429 = tpu.memref_slice %arg7[%dma_start3A_426, %dma_start3A_427, %dma_start3A_428] : memref<2x16x768xf32, #tpu.memory_space<vmem>> -> memref<1x16x768xf32, #tpu.memory_space<vmem>>
    %dma_start3A_430 = tpu.memref_squeeze %dma_start3A_429 : memref<1x16x768xf32, #tpu.memory_space<vmem>> -> memref<16x768xf32, #tpu.memory_space<vmem>>
    %dma_start3A_431 = arith.constant 0 : i32
    %dma_start3A_432 = tpu.memref_slice %arg4[%add3A_425, %dma_start3A_431] : memref<2048x768xf32, #tpu.memory_space<hbm>> -> memref<16x768xf32, #tpu.memory_space<hbm>>
    %dma_start3A_433 = arith.constant 0 : i32
    %dma_start3A_434 = arith.constant 0 : i32
    %dma_start3A_435 = tpu.memref_slice %arg7[%dma_start3A_426, %dma_start3A_433, %dma_start3A_434] : memref<2x16x768xf32, #tpu.memory_space<vmem>> -> memref<1x16x768xf32, #tpu.memory_space<vmem>>
    %dma_start3A_436 = tpu.memref_squeeze %dma_start3A_435 : memref<1x16x768xf32, #tpu.memory_space<vmem>> -> memref<16x768xf32, #tpu.memory_space<vmem>>
    %dma_start3A_437 = arith.constant 0 : i32
    %dma_start3A_438 = tpu.memref_slice %arg4[%add3A_425, %dma_start3A_437] : memref<2048x768xf32, #tpu.memory_space<hbm>> -> memref<16x768xf32, #tpu.memory_space<hbm>>
    tpu.enqueue_dma source(%dma_start3A_438 : memref<16x768xf32, #tpu.memory_space<hbm>>) target(%dma_start3A_436 : memref<16x768xf32, #tpu.memory_space<vmem>>) target_semaphore(%arg10 : memref<!tpu.dma_semaphore, #tpu.memory_space<semaphore_mem>>)
    %dma_start3A_439 = arith.constant 0 : i32
    %dma_start3A_440 = arith.constant 0 : i32
    %dma_start3A_441 = arith.constant 0 : i32
    %dma_start3A_442 = arith.constant 0 : i32
    %dma_start3A_443 = arith.constant 0 : i32
    %dma_start3A_444 = tpu.memref_slice %arg8[%dma_start3A_440, %dma_start3A_441, %dma_start3A_442, %dma_start3A_443] : memref<2x4x16x768xf32, #tpu.memory_space<vmem>> -> memref<1x1x16x768xf32, #tpu.memory_space<vmem>>
    %dma_start3A_445 = tpu.memref_squeeze %dma_start3A_444 : memref<1x1x16x768xf32, #tpu.memory_space<vmem>> -> memref<16x768xf32, #tpu.memory_space<vmem>>
    %dma_start3A_446 = arith.constant 32 : i32
    %dma_start3A_447 = tpu.memref_slice %arg6[%dma_start3A_439, %dma_start3A_446] : memref<4x64xi32, #tpu.memory_space<vmem>> -> memref<1x16xi32, #tpu.memory_space<vmem>>
    %dma_start3A_448 = tpu.memref_squeeze %dma_start3A_447 : memref<1x16xi32, #tpu.memory_space<vmem>> -> memref<16xi32, #tpu.memory_space<vmem>>
    %dma_start3A_449 = arith.constant 0 : i32
    %dma_start3A_450 = arith.constant 0 : i32
    %dma_start3A_451 = tpu.memref_slice %arg3[%dma_start3A_449, %dma_start3A_450] : memref<50257x768xf32, #tpu.memory_space<hbm>> -> memref<50257x768xf32, #tpu.memory_space<hbm>>
    tpu.enqueue_indirect_dma source(%dma_start3A_451 : memref<50257x768xf32, #tpu.memory_space<hbm>>) target(%dma_start3A_445 : memref<16x768xf32, #tpu.memory_space<vmem>>) offsets(%dma_start3A_448 : memref<16xi32, #tpu.memory_space<vmem>>) semaphore(%arg9 : memref<!tpu.dma_semaphore, #tpu.memory_space<semaphore_mem>>)
    %dma_start3A_452 = arith.constant 1 : i32
    %dma_start3A_453 = arith.constant 0 : i32
    %dma_start3A_454 = arith.constant 1 : i32
    %dma_start3A_455 = arith.constant 0 : i32
    %dma_start3A_456 = arith.constant 0 : i32
    %dma_start3A_457 = tpu.memref_slice %arg8[%dma_start3A_453, %dma_start3A_454, %dma_start3A_455, %dma_start3A_456] : memref<2x4x16x768xf32, #tpu.memory_space<vmem>> -> memref<1x1x16x768xf32, #tpu.memory_space<vmem>>
    %dma_start3A_458 = tpu.memref_squeeze %dma_start3A_457 : memref<1x1x16x768xf32, #tpu.memory_space<vmem>> -> memref<16x768xf32, #tpu.memory_space<vmem>>
    %dma_start3A_459 = arith.constant 32 : i32
    %dma_start3A_460 = tpu.memref_slice %arg6[%dma_start3A_452, %dma_start3A_459] : memref<4x64xi32, #tpu.memory_space<vmem>> -> memref<1x16xi32, #tpu.memory_space<vmem>>
    %dma_start3A_461 = tpu.memref_squeeze %dma_start3A_460 : memref<1x16xi32, #tpu.memory_space<vmem>> -> memref<16xi32, #tpu.memory_space<vmem>>
    %dma_start3A_462 = arith.constant 0 : i32
    %dma_start3A_463 = arith.constant 0 : i32
    %dma_start3A_464 = tpu.memref_slice %arg3[%dma_start3A_462, %dma_start3A_463] : memref<50257x768xf32, #tpu.memory_space<hbm>> -> memref<50257x768xf32, #tpu.memory_space<hbm>>
    tpu.enqueue_indirect_dma source(%dma_start3A_464 : memref<50257x768xf32, #tpu.memory_space<hbm>>) target(%dma_start3A_458 : memref<16x768xf32, #tpu.memory_space<vmem>>) offsets(%dma_start3A_461 : memref<16xi32, #tpu.memory_space<vmem>>) semaphore(%arg9 : memref<!tpu.dma_semaphore, #tpu.memory_space<semaphore_mem>>)
    %dma_start3A_465 = arith.constant 2 : i32
    %dma_start3A_466 = arith.constant 0 : i32
    %dma_start3A_467 = arith.constant 2 : i32
    %dma_start3A_468 = arith.constant 0 : i32
    %dma_start3A_469 = arith.constant 0 : i32
    %dma_start3A_470 = tpu.memref_slice %arg8[%dma_start3A_466, %dma_start3A_467, %dma_start3A_468, %dma_start3A_469] : memref<2x4x16x768xf32, #tpu.memory_space<vmem>> -> memref<1x1x16x768xf32, #tpu.memory_space<vmem>>
    %dma_start3A_471 = tpu.memref_squeeze %dma_start3A_470 : memref<1x1x16x768xf32, #tpu.memory_space<vmem>> -> memref<16x768xf32, #tpu.memory_space<vmem>>
    %dma_start3A_472 = arith.constant 32 : i32
    %dma_start3A_473 = tpu.memref_slice %arg6[%dma_start3A_465, %dma_start3A_472] : memref<4x64xi32, #tpu.memory_space<vmem>> -> memref<1x16xi32, #tpu.memory_space<vmem>>
    %dma_start3A_474 = tpu.memref_squeeze %dma_start3A_473 : memref<1x16xi32, #tpu.memory_space<vmem>> -> memref<16xi32, #tpu.memory_space<vmem>>
    %dma_start3A_475 = arith.constant 0 : i32
    %dma_start3A_476 = arith.constant 0 : i32
    %dma_start3A_477 = tpu.memref_slice %arg3[%dma_start3A_475, %dma_start3A_476] : memref<50257x768xf32, #tpu.memory_space<hbm>> -> memref<50257x768xf32, #tpu.memory_space<hbm>>
    tpu.enqueue_indirect_dma source(%dma_start3A_477 : memref<50257x768xf32, #tpu.memory_space<hbm>>) target(%dma_start3A_471 : memref<16x768xf32, #tpu.memory_space<vmem>>) offsets(%dma_start3A_474 : memref<16xi32, #tpu.memory_space<vmem>>) semaphore(%arg9 : memref<!tpu.dma_semaphore, #tpu.memory_space<semaphore_mem>>)
    %dma_start3A_478 = arith.constant 3 : i32
    %dma_start3A_479 = arith.constant 0 : i32
    %dma_start3A_480 = arith.constant 3 : i32
    %dma_start3A_481 = arith.constant 0 : i32
    %dma_start3A_482 = arith.constant 0 : i32
    %dma_start3A_483 = tpu.memref_slice %arg8[%dma_start3A_479, %dma_start3A_480, %dma_start3A_481, %dma_start3A_482] : memref<2x4x16x768xf32, #tpu.memory_space<vmem>> -> memref<1x1x16x768xf32, #tpu.memory_space<vmem>>
    %dma_start3A_484 = tpu.memref_squeeze %dma_start3A_483 : memref<1x1x16x768xf32, #tpu.memory_space<vmem>> -> memref<16x768xf32, #tpu.memory_space<vmem>>
    %dma_start3A_485 = arith.constant 32 : i32
    %dma_start3A_486 = tpu.memref_slice %arg6[%dma_start3A_478, %dma_start3A_485] : memref<4x64xi32, #tpu.memory_space<vmem>> -> memref<1x16xi32, #tpu.memory_space<vmem>>
    %dma_start3A_487 = tpu.memref_squeeze %dma_start3A_486 : memref<1x16xi32, #tpu.memory_space<vmem>> -> memref<16xi32, #tpu.memory_space<vmem>>
    %dma_start3A_488 = arith.constant 0 : i32
    %dma_start3A_489 = arith.constant 0 : i32
    %dma_start3A_490 = tpu.memref_slice %arg3[%dma_start3A_488, %dma_start3A_489] : memref<50257x768xf32, #tpu.memory_space<hbm>> -> memref<50257x768xf32, #tpu.memory_space<hbm>>
    tpu.enqueue_indirect_dma source(%dma_start3A_490 : memref<50257x768xf32, #tpu.memory_space<hbm>>) target(%dma_start3A_484 : memref<16x768xf32, #tpu.memory_space<vmem>>) offsets(%dma_start3A_487 : memref<16xi32, #tpu.memory_space<vmem>>) semaphore(%arg9 : memref<!tpu.dma_semaphore, #tpu.memory_space<semaphore_mem>>)
    %dma_wait3A_491 = arith.constant 1 : i32
    %dma_wait3A_492 = arith.constant 0 : i32
    %dma_wait3A_493 = arith.constant 0 : i32
    %dma_wait3A_494 = tpu.memref_slice %arg7[%dma_wait3A_491, %dma_wait3A_492, %dma_wait3A_493] : memref<2x16x768xf32, #tpu.memory_space<vmem>> -> memref<1x16x768xf32, #tpu.memory_space<vmem>>
    %dma_wait3A_495 = tpu.memref_squeeze %dma_wait3A_494 : memref<1x16x768xf32, #tpu.memory_space<vmem>> -> memref<16x768xf32, #tpu.memory_space<vmem>>
    %dma_wait3A_496 = arith.constant 0 : i32
    %dma_wait3A_497 = tpu.memref_slice %arg4[%add3A_165, %dma_wait3A_496] : memref<2048x768xf32, #tpu.memory_space<hbm>> -> memref<16x768xf32, #tpu.memory_space<hbm>>
    %dma_wait3A_498 = arith.constant 0 : i32
    %dma_wait3A_499 = arith.constant 0 : i32
    %dma_wait3A_500 = tpu.memref_slice %arg7[%dma_wait3A_491, %dma_wait3A_498, %dma_wait3A_499] : memref<2x16x768xf32, #tpu.memory_space<vmem>> -> memref<1x16x768xf32, #tpu.memory_space<vmem>>
    %dma_wait3A_501 = tpu.memref_squeeze %dma_wait3A_500 : memref<1x16x768xf32, #tpu.memory_space<vmem>> -> memref<16x768xf32, #tpu.memory_space<vmem>>
    %dma_wait3A_502 = arith.constant 0 : i32
    %dma_wait3A_503 = tpu.memref_slice %arg4[%add3A_165, %dma_wait3A_502] : memref<2048x768xf32, #tpu.memory_space<hbm>> -> memref<16x768xf32, #tpu.memory_space<hbm>>
    tpu.wait_dma2 semaphore(%arg10 : memref<!tpu.dma_semaphore, #tpu.memory_space<semaphore_mem>>) src(%dma_wait3A_503 : memref<16x768xf32, #tpu.memory_space<hbm>>) dst(%dma_wait3A_501 : memref<16x768xf32, #tpu.memory_space<vmem>>)
    %dma_wait3A_504 = arith.constant 0 : i32
    %dma_wait3A_505 = arith.constant 1 : i32
    %dma_wait3A_506 = arith.constant 0 : i32
    %dma_wait3A_507 = arith.constant 0 : i32
    %dma_wait3A_508 = arith.constant 0 : i32
    %dma_wait3A_509 = tpu.memref_slice %arg8[%dma_wait3A_505, %dma_wait3A_506, %dma_wait3A_507, %dma_wait3A_508] : memref<2x4x16x768xf32, #tpu.memory_space<vmem>> -> memref<1x1x16x768xf32, #tpu.memory_space<vmem>>
    %dma_wait3A_510 = tpu.memref_squeeze %dma_wait3A_509 : memref<1x1x16x768xf32, #tpu.memory_space<vmem>> -> memref<16x768xf32, #tpu.memory_space<vmem>>
    %dma_wait3A_511 = arith.constant 16 : i32
    %dma_wait3A_512 = tpu.memref_slice %arg6[%dma_wait3A_504, %dma_wait3A_511] : memref<4x64xi32, #tpu.memory_space<vmem>> -> memref<1x16xi32, #tpu.memory_space<vmem>>
    %dma_wait3A_513 = tpu.memref_squeeze %dma_wait3A_512 : memref<1x16xi32, #tpu.memory_space<vmem>> -> memref<16xi32, #tpu.memory_space<vmem>>
    %dma_wait3A_514 = arith.constant 0 : i32
    %dma_wait3A_515 = arith.constant 0 : i32
    %dma_wait3A_516 = tpu.memref_slice %arg3[%dma_wait3A_514, %dma_wait3A_515] : memref<50257x768xf32, #tpu.memory_space<hbm>> -> memref<50257x768xf32, #tpu.memory_space<hbm>>
    tpu.wait_indirect_dma semaphore(%arg9 : memref<!tpu.dma_semaphore, #tpu.memory_space<semaphore_mem>>) src(%dma_wait3A_516 : memref<50257x768xf32, #tpu.memory_space<hbm>>) dst(%dma_wait3A_510 : memref<16x768xf32, #tpu.memory_space<vmem>>)
    %dma_wait3A_517 = arith.constant 1 : i32
    %dma_wait3A_518 = arith.constant 1 : i32
    %dma_wait3A_519 = arith.constant 1 : i32
    %dma_wait3A_520 = arith.constant 0 : i32
    %dma_wait3A_521 = arith.constant 0 : i32
    %dma_wait3A_522 = tpu.memref_slice %arg8[%dma_wait3A_518, %dma_wait3A_519, %dma_wait3A_520, %dma_wait3A_521] : memref<2x4x16x768xf32, #tpu.memory_space<vmem>> -> memref<1x1x16x768xf32, #tpu.memory_space<vmem>>
    %dma_wait3A_523 = tpu.memref_squeeze %dma_wait3A_522 : memref<1x1x16x768xf32, #tpu.memory_space<vmem>> -> memref<16x768xf32, #tpu.memory_space<vmem>>
    %dma_wait3A_524 = arith.constant 16 : i32
    %dma_wait3A_525 = tpu.memref_slice %arg6[%dma_wait3A_517, %dma_wait3A_524] : memref<4x64xi32, #tpu.memory_space<vmem>> -> memref<1x16xi32, #tpu.memory_space<vmem>>
    %dma_wait3A_526 = tpu.memref_squeeze %dma_wait3A_525 : memref<1x16xi32, #tpu.memory_space<vmem>> -> memref<16xi32, #tpu.memory_space<vmem>>
    %dma_wait3A_527 = arith.constant 0 : i32
    %dma_wait3A_528 = arith.constant 0 : i32
    %dma_wait3A_529 = tpu.memref_slice %arg3[%dma_wait3A_527, %dma_wait3A_528] : memref<50257x768xf32, #tpu.memory_space<hbm>> -> memref<50257x768xf32, #tpu.memory_space<hbm>>
    tpu.wait_indirect_dma semaphore(%arg9 : memref<!tpu.dma_semaphore, #tpu.memory_space<semaphore_mem>>) src(%dma_wait3A_529 : memref<50257x768xf32, #tpu.memory_space<hbm>>) dst(%dma_wait3A_523 : memref<16x768xf32, #tpu.memory_space<vmem>>)
    %dma_wait3A_530 = arith.constant 2 : i32
    %dma_wait3A_531 = arith.constant 1 : i32
    %dma_wait3A_532 = arith.constant 2 : i32
    %dma_wait3A_533 = arith.constant 0 : i32
    %dma_wait3A_534 = arith.constant 0 : i32
    %dma_wait3A_535 = tpu.memref_slice %arg8[%dma_wait3A_531, %dma_wait3A_532, %dma_wait3A_533, %dma_wait3A_534] : memref<2x4x16x768xf32, #tpu.memory_space<vmem>> -> memref<1x1x16x768xf32, #tpu.memory_space<vmem>>
    %dma_wait3A_536 = tpu.memref_squeeze %dma_wait3A_535 : memref<1x1x16x768xf32, #tpu.memory_space<vmem>> -> memref<16x768xf32, #tpu.memory_space<vmem>>
    %dma_wait3A_537 = arith.constant 16 : i32
    %dma_wait3A_538 = tpu.memref_slice %arg6[%dma_wait3A_530, %dma_wait3A_537] : memref<4x64xi32, #tpu.memory_space<vmem>> -> memref<1x16xi32, #tpu.memory_space<vmem>>
    %dma_wait3A_539 = tpu.memref_squeeze %dma_wait3A_538 : memref<1x16xi32, #tpu.memory_space<vmem>> -> memref<16xi32, #tpu.memory_space<vmem>>
    %dma_wait3A_540 = arith.constant 0 : i32
    %dma_wait3A_541 = arith.constant 0 : i32
    %dma_wait3A_542 = tpu.memref_slice %arg3[%dma_wait3A_540, %dma_wait3A_541] : memref<50257x768xf32, #tpu.memory_space<hbm>> -> memref<50257x768xf32, #tpu.memory_space<hbm>>
    tpu.wait_indirect_dma semaphore(%arg9 : memref<!tpu.dma_semaphore, #tpu.memory_space<semaphore_mem>>) src(%dma_wait3A_542 : memref<50257x768xf32, #tpu.memory_space<hbm>>) dst(%dma_wait3A_536 : memref<16x768xf32, #tpu.memory_space<vmem>>)
    %dma_wait3A_543 = arith.constant 3 : i32
    %dma_wait3A_544 = arith.constant 1 : i32
    %dma_wait3A_545 = arith.constant 3 : i32
    %dma_wait3A_546 = arith.constant 0 : i32
    %dma_wait3A_547 = arith.constant 0 : i32
    %dma_wait3A_548 = tpu.memref_slice %arg8[%dma_wait3A_544, %dma_wait3A_545, %dma_wait3A_546, %dma_wait3A_547] : memref<2x4x16x768xf32, #tpu.memory_space<vmem>> -> memref<1x1x16x768xf32, #tpu.memory_space<vmem>>
    %dma_wait3A_549 = tpu.memref_squeeze %dma_wait3A_548 : memref<1x1x16x768xf32, #tpu.memory_space<vmem>> -> memref<16x768xf32, #tpu.memory_space<vmem>>
    %dma_wait3A_550 = arith.constant 16 : i32
    %dma_wait3A_551 = tpu.memref_slice %arg6[%dma_wait3A_543, %dma_wait3A_550] : memref<4x64xi32, #tpu.memory_space<vmem>> -> memref<1x16xi32, #tpu.memory_space<vmem>>
    %dma_wait3A_552 = tpu.memref_squeeze %dma_wait3A_551 : memref<1x16xi32, #tpu.memory_space<vmem>> -> memref<16xi32, #tpu.memory_space<vmem>>
    %dma_wait3A_553 = arith.constant 0 : i32
    %dma_wait3A_554 = arith.constant 0 : i32
    %dma_wait3A_555 = tpu.memref_slice %arg3[%dma_wait3A_553, %dma_wait3A_554] : memref<50257x768xf32, #tpu.memory_space<hbm>> -> memref<50257x768xf32, #tpu.memory_space<hbm>>
    tpu.wait_indirect_dma semaphore(%arg9 : memref<!tpu.dma_semaphore, #tpu.memory_space<semaphore_mem>>) src(%dma_wait3A_555 : memref<50257x768xf32, #tpu.memory_space<hbm>>) dst(%dma_wait3A_549 : memref<16x768xf32, #tpu.memory_space<vmem>>)
    %add3A_556 = arith.constant 0 : i32
    %add3A_557 = arith.addi %add3A_556, %mul3A_2 : i32
    %add3A_558 = arith.constant 16 : i32
    %add3A_559 = arith.addi %add3A_557, %add3A_558 : i32
    %dma_start3A_560 = arith.constant 1 : i32
    %dma_start3A_561 = arith.constant 0 : i32
    %dma_start3A_562 = arith.constant 0 : i32
    %dma_start3A_563 = arith.constant 0 : i32
    %dma_start3A_564 = tpu.memref_slice %arg8[%dma_start3A_560, %dma_start3A_561, %dma_start3A_562, %dma_start3A_563] : memref<2x4x16x768xf32, #tpu.memory_space<vmem>> -> memref<1x1x16x768xf32, #tpu.memory_space<vmem>>
    %dma_start3A_565 = tpu.memref_squeeze %dma_start3A_564 : memref<1x1x16x768xf32, #tpu.memory_space<vmem>> -> memref<16x768xf32, #tpu.memory_space<vmem>>
    %dma_start3A_566 = arith.constant 0 : i32
    %dma_start3A_567 = tpu.memref_slice %arg5[%add3A_559, %dma_start3A_566] : memref<8192x768xf32, #tpu.memory_space<hbm>> -> memref<16x768xf32, #tpu.memory_space<hbm>>
    %dma_start3A_568 = arith.constant 0 : i32
    %dma_start3A_569 = tpu.memref_slice %arg5[%add3A_559, %dma_start3A_568] : memref<8192x768xf32, #tpu.memory_space<hbm>> -> memref<16x768xf32, #tpu.memory_space<hbm>>
    %dma_start3A_570 = arith.constant 0 : i32
    %dma_start3A_571 = arith.constant 0 : i32
    %dma_start3A_572 = tpu.memref_slice %arg8[%dma_start3A_560, %dma_start3A_561, %dma_start3A_570, %dma_start3A_571] : memref<2x4x16x768xf32, #tpu.memory_space<vmem>> -> memref<1x1x16x768xf32, #tpu.memory_space<vmem>>
    %dma_start3A_573 = tpu.memref_squeeze %dma_start3A_572 : memref<1x1x16x768xf32, #tpu.memory_space<vmem>> -> memref<16x768xf32, #tpu.memory_space<vmem>>
    tpu.enqueue_dma source(%dma_start3A_573 : memref<16x768xf32, #tpu.memory_space<vmem>>) target(%dma_start3A_569 : memref<16x768xf32, #tpu.memory_space<hbm>>) target_semaphore(%arg11 : memref<!tpu.dma_semaphore, #tpu.memory_space<semaphore_mem>>)
    %add3A_574 = arith.constant 2048 : i32
    %add3A_575 = arith.addi %add3A_574, %mul3A_2 : i32
    %add3A_576 = arith.constant 16 : i32
    %add3A_577 = arith.addi %add3A_575, %add3A_576 : i32
    %dma_start3A_578 = arith.constant 1 : i32
    %dma_start3A_579 = arith.constant 1 : i32
    %dma_start3A_580 = arith.constant 0 : i32
    %dma_start3A_581 = arith.constant 0 : i32
    %dma_start3A_582 = tpu.memref_slice %arg8[%dma_start3A_578, %dma_start3A_579, %dma_start3A_580, %dma_start3A_581] : memref<2x4x16x768xf32, #tpu.memory_space<vmem>> -> memref<1x1x16x768xf32, #tpu.memory_space<vmem>>
    %dma_start3A_583 = tpu.memref_squeeze %dma_start3A_582 : memref<1x1x16x768xf32, #tpu.memory_space<vmem>> -> memref<16x768xf32, #tpu.memory_space<vmem>>
    %dma_start3A_584 = arith.constant 0 : i32
    %dma_start3A_585 = tpu.memref_slice %arg5[%add3A_577, %dma_start3A_584] : memref<8192x768xf32, #tpu.memory_space<hbm>> -> memref<16x768xf32, #tpu.memory_space<hbm>>
    %dma_start3A_586 = arith.constant 0 : i32
    %dma_start3A_587 = tpu.memref_slice %arg5[%add3A_577, %dma_start3A_586] : memref<8192x768xf32, #tpu.memory_space<hbm>> -> memref<16x768xf32, #tpu.memory_space<hbm>>
    %dma_start3A_588 = arith.constant 0 : i32
    %dma_start3A_589 = arith.constant 0 : i32
    %dma_start3A_590 = tpu.memref_slice %arg8[%dma_start3A_578, %dma_start3A_579, %dma_start3A_588, %dma_start3A_589] : memref<2x4x16x768xf32, #tpu.memory_space<vmem>> -> memref<1x1x16x768xf32, #tpu.memory_space<vmem>>
    %dma_start3A_591 = tpu.memref_squeeze %dma_start3A_590 : memref<1x1x16x768xf32, #tpu.memory_space<vmem>> -> memref<16x768xf32, #tpu.memory_space<vmem>>
    tpu.enqueue_dma source(%dma_start3A_591 : memref<16x768xf32, #tpu.memory_space<vmem>>) target(%dma_start3A_587 : memref<16x768xf32, #tpu.memory_space<hbm>>) target_semaphore(%arg11 : memref<!tpu.dma_semaphore, #tpu.memory_space<semaphore_mem>>)
    %add3A_592 = arith.constant 4096 : i32
    %add3A_593 = arith.addi %add3A_592, %mul3A_2 : i32
    %add3A_594 = arith.constant 16 : i32
    %add3A_595 = arith.addi %add3A_593, %add3A_594 : i32
    %dma_start3A_596 = arith.constant 1 : i32
    %dma_start3A_597 = arith.constant 2 : i32
    %dma_start3A_598 = arith.constant 0 : i32
    %dma_start3A_599 = arith.constant 0 : i32
    %dma_start3A_600 = tpu.memref_slice %arg8[%dma_start3A_596, %dma_start3A_597, %dma_start3A_598, %dma_start3A_599] : memref<2x4x16x768xf32, #tpu.memory_space<vmem>> -> memref<1x1x16x768xf32, #tpu.memory_space<vmem>>
    %dma_start3A_601 = tpu.memref_squeeze %dma_start3A_600 : memref<1x1x16x768xf32, #tpu.memory_space<vmem>> -> memref<16x768xf32, #tpu.memory_space<vmem>>
    %dma_start3A_602 = arith.constant 0 : i32
    %dma_start3A_603 = tpu.memref_slice %arg5[%add3A_595, %dma_start3A_602] : memref<8192x768xf32, #tpu.memory_space<hbm>> -> memref<16x768xf32, #tpu.memory_space<hbm>>
    %dma_start3A_604 = arith.constant 0 : i32
    %dma_start3A_605 = tpu.memref_slice %arg5[%add3A_595, %dma_start3A_604] : memref<8192x768xf32, #tpu.memory_space<hbm>> -> memref<16x768xf32, #tpu.memory_space<hbm>>
    %dma_start3A_606 = arith.constant 0 : i32
    %dma_start3A_607 = arith.constant 0 : i32
    %dma_start3A_608 = tpu.memref_slice %arg8[%dma_start3A_596, %dma_start3A_597, %dma_start3A_606, %dma_start3A_607] : memref<2x4x16x768xf32, #tpu.memory_space<vmem>> -> memref<1x1x16x768xf32, #tpu.memory_space<vmem>>
    %dma_start3A_609 = tpu.memref_squeeze %dma_start3A_608 : memref<1x1x16x768xf32, #tpu.memory_space<vmem>> -> memref<16x768xf32, #tpu.memory_space<vmem>>
    tpu.enqueue_dma source(%dma_start3A_609 : memref<16x768xf32, #tpu.memory_space<vmem>>) target(%dma_start3A_605 : memref<16x768xf32, #tpu.memory_space<hbm>>) target_semaphore(%arg11 : memref<!tpu.dma_semaphore, #tpu.memory_space<semaphore_mem>>)
    %add3A_610 = arith.constant 6144 : i32
    %add3A_611 = arith.addi %add3A_610, %mul3A_2 : i32
    %add3A_612 = arith.constant 16 : i32
    %add3A_613 = arith.addi %add3A_611, %add3A_612 : i32
    %dma_start3A_614 = arith.constant 1 : i32
    %dma_start3A_615 = arith.constant 3 : i32
    %dma_start3A_616 = arith.constant 0 : i32
    %dma_start3A_617 = arith.constant 0 : i32
    %dma_start3A_618 = tpu.memref_slice %arg8[%dma_start3A_614, %dma_start3A_615, %dma_start3A_616, %dma_start3A_617] : memref<2x4x16x768xf32, #tpu.memory_space<vmem>> -> memref<1x1x16x768xf32, #tpu.memory_space<vmem>>
    %dma_start3A_619 = tpu.memref_squeeze %dma_start3A_618 : memref<1x1x16x768xf32, #tpu.memory_space<vmem>> -> memref<16x768xf32, #tpu.memory_space<vmem>>
    %dma_start3A_620 = arith.constant 0 : i32
    %dma_start3A_621 = tpu.memref_slice %arg5[%add3A_613, %dma_start3A_620] : memref<8192x768xf32, #tpu.memory_space<hbm>> -> memref<16x768xf32, #tpu.memory_space<hbm>>
    %dma_start3A_622 = arith.constant 0 : i32
    %dma_start3A_623 = tpu.memref_slice %arg5[%add3A_613, %dma_start3A_622] : memref<8192x768xf32, #tpu.memory_space<hbm>> -> memref<16x768xf32, #tpu.memory_space<hbm>>
    %dma_start3A_624 = arith.constant 0 : i32
    %dma_start3A_625 = arith.constant 0 : i32
    %dma_start3A_626 = tpu.memref_slice %arg8[%dma_start3A_614, %dma_start3A_615, %dma_start3A_624, %dma_start3A_625] : memref<2x4x16x768xf32, #tpu.memory_space<vmem>> -> memref<1x1x16x768xf32, #tpu.memory_space<vmem>>
    %dma_start3A_627 = tpu.memref_squeeze %dma_start3A_626 : memref<1x1x16x768xf32, #tpu.memory_space<vmem>> -> memref<16x768xf32, #tpu.memory_space<vmem>>
    tpu.enqueue_dma source(%dma_start3A_627 : memref<16x768xf32, #tpu.memory_space<vmem>>) target(%dma_start3A_623 : memref<16x768xf32, #tpu.memory_space<hbm>>) target_semaphore(%arg11 : memref<!tpu.dma_semaphore, #tpu.memory_space<semaphore_mem>>)
    %dma_wait3A_628 = arith.constant 1 : i32
    %dma_wait3A_629 = arith.constant 0 : i32
    %dma_wait3A_630 = arith.constant 0 : i32
    %dma_wait3A_631 = arith.constant 0 : i32
    %dma_wait3A_632 = tpu.memref_slice %arg8[%dma_wait3A_628, %dma_wait3A_629, %dma_wait3A_630, %dma_wait3A_631] : memref<2x4x16x768xf32, #tpu.memory_space<vmem>> -> memref<1x1x16x768xf32, #tpu.memory_space<vmem>>
    %dma_wait3A_633 = tpu.memref_squeeze %dma_wait3A_632 : memref<1x1x16x768xf32, #tpu.memory_space<vmem>> -> memref<16x768xf32, #tpu.memory_space<vmem>>
    %dma_wait3A_634 = arith.constant 0 : i32
    %dma_wait3A_635 = tpu.memref_slice %arg5[%add3A_559, %dma_wait3A_634] : memref<8192x768xf32, #tpu.memory_space<hbm>> -> memref<16x768xf32, #tpu.memory_space<hbm>>
    %dma_wait3A_636 = arith.constant 0 : i32
    %dma_wait3A_637 = tpu.memref_slice %arg5[%add3A_559, %dma_wait3A_636] : memref<8192x768xf32, #tpu.memory_space<hbm>> -> memref<16x768xf32, #tpu.memory_space<hbm>>
    %dma_wait3A_638 = arith.constant 0 : i32
    %dma_wait3A_639 = arith.constant 0 : i32
    %dma_wait3A_640 = tpu.memref_slice %arg8[%dma_wait3A_628, %dma_wait3A_629, %dma_wait3A_638, %dma_wait3A_639] : memref<2x4x16x768xf32, #tpu.memory_space<vmem>> -> memref<1x1x16x768xf32, #tpu.memory_space<vmem>>
    %dma_wait3A_641 = tpu.memref_squeeze %dma_wait3A_640 : memref<1x1x16x768xf32, #tpu.memory_space<vmem>> -> memref<16x768xf32, #tpu.memory_space<vmem>>
    tpu.wait_dma2 semaphore(%arg11 : memref<!tpu.dma_semaphore, #tpu.memory_space<semaphore_mem>>) src(%dma_wait3A_641 : memref<16x768xf32, #tpu.memory_space<vmem>>) dst(%dma_wait3A_637 : memref<16x768xf32, #tpu.memory_space<hbm>>)
    %dma_wait3A_642 = arith.constant 1 : i32
    %dma_wait3A_643 = arith.constant 1 : i32
    %dma_wait3A_644 = arith.constant 0 : i32
    %dma_wait3A_645 = arith.constant 0 : i32
    %dma_wait3A_646 = tpu.memref_slice %arg8[%dma_wait3A_642, %dma_wait3A_643, %dma_wait3A_644, %dma_wait3A_645] : memref<2x4x16x768xf32, #tpu.memory_space<vmem>> -> memref<1x1x16x768xf32, #tpu.memory_space<vmem>>
    %dma_wait3A_647 = tpu.memref_squeeze %dma_wait3A_646 : memref<1x1x16x768xf32, #tpu.memory_space<vmem>> -> memref<16x768xf32, #tpu.memory_space<vmem>>
    %dma_wait3A_648 = arith.constant 0 : i32
    %dma_wait3A_649 = tpu.memref_slice %arg5[%add3A_577, %dma_wait3A_648] : memref<8192x768xf32, #tpu.memory_space<hbm>> -> memref<16x768xf32, #tpu.memory_space<hbm>>
    %dma_wait3A_650 = arith.constant 0 : i32
    %dma_wait3A_651 = tpu.memref_slice %arg5[%add3A_577, %dma_wait3A_650] : memref<8192x768xf32, #tpu.memory_space<hbm>> -> memref<16x768xf32, #tpu.memory_space<hbm>>
    %dma_wait3A_652 = arith.constant 0 : i32
    %dma_wait3A_653 = arith.constant 0 : i32
    %dma_wait3A_654 = tpu.memref_slice %arg8[%dma_wait3A_642, %dma_wait3A_643, %dma_wait3A_652, %dma_wait3A_653] : memref<2x4x16x768xf32, #tpu.memory_space<vmem>> -> memref<1x1x16x768xf32, #tpu.memory_space<vmem>>
    %dma_wait3A_655 = tpu.memref_squeeze %dma_wait3A_654 : memref<1x1x16x768xf32, #tpu.memory_space<vmem>> -> memref<16x768xf32, #tpu.memory_space<vmem>>
    tpu.wait_dma2 semaphore(%arg11 : memref<!tpu.dma_semaphore, #tpu.memory_space<semaphore_mem>>) src(%dma_wait3A_655 : memref<16x768xf32, #tpu.memory_space<vmem>>) dst(%dma_wait3A_651 : memref<16x768xf32, #tpu.memory_space<hbm>>)
    %dma_wait3A_656 = arith.constant 1 : i32
    %dma_wait3A_657 = arith.constant 2 : i32
    %dma_wait3A_658 = arith.constant 0 : i32
    %dma_wait3A_659 = arith.constant 0 : i32
    %dma_wait3A_660 = tpu.memref_slice %arg8[%dma_wait3A_656, %dma_wait3A_657, %dma_wait3A_658, %dma_wait3A_659] : memref<2x4x16x768xf32, #tpu.memory_space<vmem>> -> memref<1x1x16x768xf32, #tpu.memory_space<vmem>>
    %dma_wait3A_661 = tpu.memref_squeeze %dma_wait3A_660 : memref<1x1x16x768xf32, #tpu.memory_space<vmem>> -> memref<16x768xf32, #tpu.memory_space<vmem>>
    %dma_wait3A_662 = arith.constant 0 : i32
    %dma_wait3A_663 = tpu.memref_slice %arg5[%add3A_595, %dma_wait3A_662] : memref<8192x768xf32, #tpu.memory_space<hbm>> -> memref<16x768xf32, #tpu.memory_space<hbm>>
    %dma_wait3A_664 = arith.constant 0 : i32
    %dma_wait3A_665 = tpu.memref_slice %arg5[%add3A_595, %dma_wait3A_664] : memref<8192x768xf32, #tpu.memory_space<hbm>> -> memref<16x768xf32, #tpu.memory_space<hbm>>
    %dma_wait3A_666 = arith.constant 0 : i32
    %dma_wait3A_667 = arith.constant 0 : i32
    %dma_wait3A_668 = tpu.memref_slice %arg8[%dma_wait3A_656, %dma_wait3A_657, %dma_wait3A_666, %dma_wait3A_667] : memref<2x4x16x768xf32, #tpu.memory_space<vmem>> -> memref<1x1x16x768xf32, #tpu.memory_space<vmem>>
    %dma_wait3A_669 = tpu.memref_squeeze %dma_wait3A_668 : memref<1x1x16x768xf32, #tpu.memory_space<vmem>> -> memref<16x768xf32, #tpu.memory_space<vmem>>
    tpu.wait_dma2 semaphore(%arg11 : memref<!tpu.dma_semaphore, #tpu.memory_space<semaphore_mem>>) src(%dma_wait3A_669 : memref<16x768xf32, #tpu.memory_space<vmem>>) dst(%dma_wait3A_665 : memref<16x768xf32, #tpu.memory_space<hbm>>)
    %dma_wait3A_670 = arith.constant 1 : i32
    %dma_wait3A_671 = arith.constant 3 : i32
    %dma_wait3A_672 = arith.constant 0 : i32
    %dma_wait3A_673 = arith.constant 0 : i32
    %dma_wait3A_674 = tpu.memref_slice %arg8[%dma_wait3A_670, %dma_wait3A_671, %dma_wait3A_672, %dma_wait3A_673] : memref<2x4x16x768xf32, #tpu.memory_space<vmem>> -> memref<1x1x16x768xf32, #tpu.memory_space<vmem>>
    %dma_wait3A_675 = tpu.memref_squeeze %dma_wait3A_674 : memref<1x1x16x768xf32, #tpu.memory_space<vmem>> -> memref<16x768xf32, #tpu.memory_space<vmem>>
    %dma_wait3A_676 = arith.constant 0 : i32
    %dma_wait3A_677 = tpu.memref_slice %arg5[%add3A_613, %dma_wait3A_676] : memref<8192x768xf32, #tpu.memory_space<hbm>> -> memref<16x768xf32, #tpu.memory_space<hbm>>
    %dma_wait3A_678 = arith.constant 0 : i32
    %dma_wait3A_679 = tpu.memref_slice %arg5[%add3A_613, %dma_wait3A_678] : memref<8192x768xf32, #tpu.memory_space<hbm>> -> memref<16x768xf32, #tpu.memory_space<hbm>>
    %dma_wait3A_680 = arith.constant 0 : i32
    %dma_wait3A_681 = arith.constant 0 : i32
    %dma_wait3A_682 = tpu.memref_slice %arg8[%dma_wait3A_670, %dma_wait3A_671, %dma_wait3A_680, %dma_wait3A_681] : memref<2x4x16x768xf32, #tpu.memory_space<vmem>> -> memref<1x1x16x768xf32, #tpu.memory_space<vmem>>
    %dma_wait3A_683 = tpu.memref_squeeze %dma_wait3A_682 : memref<1x1x16x768xf32, #tpu.memory_space<vmem>> -> memref<16x768xf32, #tpu.memory_space<vmem>>
    tpu.wait_dma2 semaphore(%arg11 : memref<!tpu.dma_semaphore, #tpu.memory_space<semaphore_mem>>) src(%dma_wait3A_683 : memref<16x768xf32, #tpu.memory_space<vmem>>) dst(%dma_wait3A_679 : memref<16x768xf32, #tpu.memory_space<hbm>>)
    %add3A_684 = arith.constant 48 : i32
    %add3A_685 = arith.addi %mul3A_2, %add3A_684 : i32
    %dma_start3A_686 = arith.constant 1 : i32
    %dma_start3A_687 = arith.constant 0 : i32
    %dma_start3A_688 = arith.constant 0 : i32
    %dma_start3A_689 = tpu.memref_slice %arg7[%dma_start3A_686, %dma_start3A_687, %dma_start3A_688] : memref<2x16x768xf32, #tpu.memory_space<vmem>> -> memref<1x16x768xf32, #tpu.memory_space<vmem>>
    %dma_start3A_690 = tpu.memref_squeeze %dma_start3A_689 : memref<1x16x768xf32, #tpu.memory_space<vmem>> -> memref<16x768xf32, #tpu.memory_space<vmem>>
    %dma_start3A_691 = arith.constant 0 : i32
    %dma_start3A_692 = tpu.memref_slice %arg4[%add3A_685, %dma_start3A_691] : memref<2048x768xf32, #tpu.memory_space<hbm>> -> memref<16x768xf32, #tpu.memory_space<hbm>>
    %dma_start3A_693 = arith.constant 0 : i32
    %dma_start3A_694 = arith.constant 0 : i32
    %dma_start3A_695 = tpu.memref_slice %arg7[%dma_start3A_686, %dma_start3A_693, %dma_start3A_694] : memref<2x16x768xf32, #tpu.memory_space<vmem>> -> memref<1x16x768xf32, #tpu.memory_space<vmem>>
    %dma_start3A_696 = tpu.memref_squeeze %dma_start3A_695 : memref<1x16x768xf32, #tpu.memory_space<vmem>> -> memref<16x768xf32, #tpu.memory_space<vmem>>
    %dma_start3A_697 = arith.constant 0 : i32
    %dma_start3A_698 = tpu.memref_slice %arg4[%add3A_685, %dma_start3A_697] : memref<2048x768xf32, #tpu.memory_space<hbm>> -> memref<16x768xf32, #tpu.memory_space<hbm>>
    tpu.enqueue_dma source(%dma_start3A_698 : memref<16x768xf32, #tpu.memory_space<hbm>>) target(%dma_start3A_696 : memref<16x768xf32, #tpu.memory_space<vmem>>) target_semaphore(%arg10 : memref<!tpu.dma_semaphore, #tpu.memory_space<semaphore_mem>>)
    %dma_start3A_699 = arith.constant 0 : i32
    %dma_start3A_700 = arith.constant 1 : i32
    %dma_start3A_701 = arith.constant 0 : i32
    %dma_start3A_702 = arith.constant 0 : i32
    %dma_start3A_703 = arith.constant 0 : i32
    %dma_start3A_704 = tpu.memref_slice %arg8[%dma_start3A_700, %dma_start3A_701, %dma_start3A_702, %dma_start3A_703] : memref<2x4x16x768xf32, #tpu.memory_space<vmem>> -> memref<1x1x16x768xf32, #tpu.memory_space<vmem>>
    %dma_start3A_705 = tpu.memref_squeeze %dma_start3A_704 : memref<1x1x16x768xf32, #tpu.memory_space<vmem>> -> memref<16x768xf32, #tpu.memory_space<vmem>>
    %dma_start3A_706 = arith.constant 48 : i32
    %dma_start3A_707 = tpu.memref_slice %arg6[%dma_start3A_699, %dma_start3A_706] : memref<4x64xi32, #tpu.memory_space<vmem>> -> memref<1x16xi32, #tpu.memory_space<vmem>>
    %dma_start3A_708 = tpu.memref_squeeze %dma_start3A_707 : memref<1x16xi32, #tpu.memory_space<vmem>> -> memref<16xi32, #tpu.memory_space<vmem>>
    %dma_start3A_709 = arith.constant 0 : i32
    %dma_start3A_710 = arith.constant 0 : i32
    %dma_start3A_711 = tpu.memref_slice %arg3[%dma_start3A_709, %dma_start3A_710] : memref<50257x768xf32, #tpu.memory_space<hbm>> -> memref<50257x768xf32, #tpu.memory_space<hbm>>
    tpu.enqueue_indirect_dma source(%dma_start3A_711 : memref<50257x768xf32, #tpu.memory_space<hbm>>) target(%dma_start3A_705 : memref<16x768xf32, #tpu.memory_space<vmem>>) offsets(%dma_start3A_708 : memref<16xi32, #tpu.memory_space<vmem>>) semaphore(%arg9 : memref<!tpu.dma_semaphore, #tpu.memory_space<semaphore_mem>>)
    %dma_start3A_712 = arith.constant 1 : i32
    %dma_start3A_713 = arith.constant 1 : i32
    %dma_start3A_714 = arith.constant 1 : i32
    %dma_start3A_715 = arith.constant 0 : i32
    %dma_start3A_716 = arith.constant 0 : i32
    %dma_start3A_717 = tpu.memref_slice %arg8[%dma_start3A_713, %dma_start3A_714, %dma_start3A_715, %dma_start3A_716] : memref<2x4x16x768xf32, #tpu.memory_space<vmem>> -> memref<1x1x16x768xf32, #tpu.memory_space<vmem>>
    %dma_start3A_718 = tpu.memref_squeeze %dma_start3A_717 : memref<1x1x16x768xf32, #tpu.memory_space<vmem>> -> memref<16x768xf32, #tpu.memory_space<vmem>>
    %dma_start3A_719 = arith.constant 48 : i32
    %dma_start3A_720 = tpu.memref_slice %arg6[%dma_start3A_712, %dma_start3A_719] : memref<4x64xi32, #tpu.memory_space<vmem>> -> memref<1x16xi32, #tpu.memory_space<vmem>>
    %dma_start3A_721 = tpu.memref_squeeze %dma_start3A_720 : memref<1x16xi32, #tpu.memory_space<vmem>> -> memref<16xi32, #tpu.memory_space<vmem>>
    %dma_start3A_722 = arith.constant 0 : i32
    %dma_start3A_723 = arith.constant 0 : i32
    %dma_start3A_724 = tpu.memref_slice %arg3[%dma_start3A_722, %dma_start3A_723] : memref<50257x768xf32, #tpu.memory_space<hbm>> -> memref<50257x768xf32, #tpu.memory_space<hbm>>
    tpu.enqueue_indirect_dma source(%dma_start3A_724 : memref<50257x768xf32, #tpu.memory_space<hbm>>) target(%dma_start3A_718 : memref<16x768xf32, #tpu.memory_space<vmem>>) offsets(%dma_start3A_721 : memref<16xi32, #tpu.memory_space<vmem>>) semaphore(%arg9 : memref<!tpu.dma_semaphore, #tpu.memory_space<semaphore_mem>>)
    %dma_start3A_725 = arith.constant 2 : i32
    %dma_start3A_726 = arith.constant 1 : i32
    %dma_start3A_727 = arith.constant 2 : i32
    %dma_start3A_728 = arith.constant 0 : i32
    %dma_start3A_729 = arith.constant 0 : i32
    %dma_start3A_730 = tpu.memref_slice %arg8[%dma_start3A_726, %dma_start3A_727, %dma_start3A_728, %dma_start3A_729] : memref<2x4x16x768xf32, #tpu.memory_space<vmem>> -> memref<1x1x16x768xf32, #tpu.memory_space<vmem>>
    %dma_start3A_731 = tpu.memref_squeeze %dma_start3A_730 : memref<1x1x16x768xf32, #tpu.memory_space<vmem>> -> memref<16x768xf32, #tpu.memory_space<vmem>>
    %dma_start3A_732 = arith.constant 48 : i32
    %dma_start3A_733 = tpu.memref_slice %arg6[%dma_start3A_725, %dma_start3A_732] : memref<4x64xi32, #tpu.memory_space<vmem>> -> memref<1x16xi32, #tpu.memory_space<vmem>>
    %dma_start3A_734 = tpu.memref_squeeze %dma_start3A_733 : memref<1x16xi32, #tpu.memory_space<vmem>> -> memref<16xi32, #tpu.memory_space<vmem>>
    %dma_start3A_735 = arith.constant 0 : i32
    %dma_start3A_736 = arith.constant 0 : i32
    %dma_start3A_737 = tpu.memref_slice %arg3[%dma_start3A_735, %dma_start3A_736] : memref<50257x768xf32, #tpu.memory_space<hbm>> -> memref<50257x768xf32, #tpu.memory_space<hbm>>
    tpu.enqueue_indirect_dma source(%dma_start3A_737 : memref<50257x768xf32, #tpu.memory_space<hbm>>) target(%dma_start3A_731 : memref<16x768xf32, #tpu.memory_space<vmem>>) offsets(%dma_start3A_734 : memref<16xi32, #tpu.memory_space<vmem>>) semaphore(%arg9 : memref<!tpu.dma_semaphore, #tpu.memory_space<semaphore_mem>>)
    %dma_start3A_738 = arith.constant 3 : i32
    %dma_start3A_739 = arith.constant 1 : i32
    %dma_start3A_740 = arith.constant 3 : i32
    %dma_start3A_741 = arith.constant 0 : i32
    %dma_start3A_742 = arith.constant 0 : i32
    %dma_start3A_743 = tpu.memref_slice %arg8[%dma_start3A_739, %dma_start3A_740, %dma_start3A_741, %dma_start3A_742] : memref<2x4x16x768xf32, #tpu.memory_space<vmem>> -> memref<1x1x16x768xf32, #tpu.memory_space<vmem>>
    %dma_start3A_744 = tpu.memref_squeeze %dma_start3A_743 : memref<1x1x16x768xf32, #tpu.memory_space<vmem>> -> memref<16x768xf32, #tpu.memory_space<vmem>>
    %dma_start3A_745 = arith.constant 48 : i32
    %dma_start3A_746 = tpu.memref_slice %arg6[%dma_start3A_738, %dma_start3A_745] : memref<4x64xi32, #tpu.memory_space<vmem>> -> memref<1x16xi32, #tpu.memory_space<vmem>>
    %dma_start3A_747 = tpu.memref_squeeze %dma_start3A_746 : memref<1x16xi32, #tpu.memory_space<vmem>> -> memref<16xi32, #tpu.memory_space<vmem>>
    %dma_start3A_748 = arith.constant 0 : i32
    %dma_start3A_749 = arith.constant 0 : i32
    %dma_start3A_750 = tpu.memref_slice %arg3[%dma_start3A_748, %dma_start3A_749] : memref<50257x768xf32, #tpu.memory_space<hbm>> -> memref<50257x768xf32, #tpu.memory_space<hbm>>
    tpu.enqueue_indirect_dma source(%dma_start3A_750 : memref<50257x768xf32, #tpu.memory_space<hbm>>) target(%dma_start3A_744 : memref<16x768xf32, #tpu.memory_space<vmem>>) offsets(%dma_start3A_747 : memref<16xi32, #tpu.memory_space<vmem>>) semaphore(%arg9 : memref<!tpu.dma_semaphore, #tpu.memory_space<semaphore_mem>>)
    %dma_wait3A_751 = arith.constant 0 : i32
    %dma_wait3A_752 = arith.constant 0 : i32
    %dma_wait3A_753 = arith.constant 0 : i32
    %dma_wait3A_754 = tpu.memref_slice %arg7[%dma_wait3A_751, %dma_wait3A_752, %dma_wait3A_753] : memref<2x16x768xf32, #tpu.memory_space<vmem>> -> memref<1x16x768xf32, #tpu.memory_space<vmem>>
    %dma_wait3A_755 = tpu.memref_squeeze %dma_wait3A_754 : memref<1x16x768xf32, #tpu.memory_space<vmem>> -> memref<16x768xf32, #tpu.memory_space<vmem>>
    %dma_wait3A_756 = arith.constant 0 : i32
    %dma_wait3A_757 = tpu.memref_slice %arg4[%add3A_425, %dma_wait3A_756] : memref<2048x768xf32, #tpu.memory_space<hbm>> -> memref<16x768xf32, #tpu.memory_space<hbm>>
    %dma_wait3A_758 = arith.constant 0 : i32
    %dma_wait3A_759 = arith.constant 0 : i32
    %dma_wait3A_760 = tpu.memref_slice %arg7[%dma_wait3A_751, %dma_wait3A_758, %dma_wait3A_759] : memref<2x16x768xf32, #tpu.memory_space<vmem>> -> memref<1x16x768xf32, #tpu.memory_space<vmem>>
    %dma_wait3A_761 = tpu.memref_squeeze %dma_wait3A_760 : memref<1x16x768xf32, #tpu.memory_space<vmem>> -> memref<16x768xf32, #tpu.memory_space<vmem>>
    %dma_wait3A_762 = arith.constant 0 : i32
    %dma_wait3A_763 = tpu.memref_slice %arg4[%add3A_425, %dma_wait3A_762] : memref<2048x768xf32, #tpu.memory_space<hbm>> -> memref<16x768xf32, #tpu.memory_space<hbm>>
    tpu.wait_dma2 semaphore(%arg10 : memref<!tpu.dma_semaphore, #tpu.memory_space<semaphore_mem>>) src(%dma_wait3A_763 : memref<16x768xf32, #tpu.memory_space<hbm>>) dst(%dma_wait3A_761 : memref<16x768xf32, #tpu.memory_space<vmem>>)
    %dma_wait3A_764 = arith.constant 0 : i32
    %dma_wait3A_765 = arith.constant 0 : i32
    %dma_wait3A_766 = arith.constant 0 : i32
    %dma_wait3A_767 = arith.constant 0 : i32
    %dma_wait3A_768 = arith.constant 0 : i32
    %dma_wait3A_769 = tpu.memref_slice %arg8[%dma_wait3A_765, %dma_wait3A_766, %dma_wait3A_767, %dma_wait3A_768] : memref<2x4x16x768xf32, #tpu.memory_space<vmem>> -> memref<1x1x16x768xf32, #tpu.memory_space<vmem>>
    %dma_wait3A_770 = tpu.memref_squeeze %dma_wait3A_769 : memref<1x1x16x768xf32, #tpu.memory_space<vmem>> -> memref<16x768xf32, #tpu.memory_space<vmem>>
    %dma_wait3A_771 = arith.constant 32 : i32
    %dma_wait3A_772 = tpu.memref_slice %arg6[%dma_wait3A_764, %dma_wait3A_771] : memref<4x64xi32, #tpu.memory_space<vmem>> -> memref<1x16xi32, #tpu.memory_space<vmem>>
    %dma_wait3A_773 = tpu.memref_squeeze %dma_wait3A_772 : memref<1x16xi32, #tpu.memory_space<vmem>> -> memref<16xi32, #tpu.memory_space<vmem>>
    %dma_wait3A_774 = arith.constant 0 : i32
    %dma_wait3A_775 = arith.constant 0 : i32
    %dma_wait3A_776 = tpu.memref_slice %arg3[%dma_wait3A_774, %dma_wait3A_775] : memref<50257x768xf32, #tpu.memory_space<hbm>> -> memref<50257x768xf32, #tpu.memory_space<hbm>>
    tpu.wait_indirect_dma semaphore(%arg9 : memref<!tpu.dma_semaphore, #tpu.memory_space<semaphore_mem>>) src(%dma_wait3A_776 : memref<50257x768xf32, #tpu.memory_space<hbm>>) dst(%dma_wait3A_770 : memref<16x768xf32, #tpu.memory_space<vmem>>)
    %dma_wait3A_777 = arith.constant 1 : i32
    %dma_wait3A_778 = arith.constant 0 : i32
    %dma_wait3A_779 = arith.constant 1 : i32
    %dma_wait3A_780 = arith.constant 0 : i32
    %dma_wait3A_781 = arith.constant 0 : i32
    %dma_wait3A_782 = tpu.memref_slice %arg8[%dma_wait3A_778, %dma_wait3A_779, %dma_wait3A_780, %dma_wait3A_781] : memref<2x4x16x768xf32, #tpu.memory_space<vmem>> -> memref<1x1x16x768xf32, #tpu.memory_space<vmem>>
    %dma_wait3A_783 = tpu.memref_squeeze %dma_wait3A_782 : memref<1x1x16x768xf32, #tpu.memory_space<vmem>> -> memref<16x768xf32, #tpu.memory_space<vmem>>
    %dma_wait3A_784 = arith.constant 32 : i32
    %dma_wait3A_785 = tpu.memref_slice %arg6[%dma_wait3A_777, %dma_wait3A_784] : memref<4x64xi32, #tpu.memory_space<vmem>> -> memref<1x16xi32, #tpu.memory_space<vmem>>
    %dma_wait3A_786 = tpu.memref_squeeze %dma_wait3A_785 : memref<1x16xi32, #tpu.memory_space<vmem>> -> memref<16xi32, #tpu.memory_space<vmem>>
    %dma_wait3A_787 = arith.constant 0 : i32
    %dma_wait3A_788 = arith.constant 0 : i32
    %dma_wait3A_789 = tpu.memref_slice %arg3[%dma_wait3A_787, %dma_wait3A_788] : memref<50257x768xf32, #tpu.memory_space<hbm>> -> memref<50257x768xf32, #tpu.memory_space<hbm>>
    tpu.wait_indirect_dma semaphore(%arg9 : memref<!tpu.dma_semaphore, #tpu.memory_space<semaphore_mem>>) src(%dma_wait3A_789 : memref<50257x768xf32, #tpu.memory_space<hbm>>) dst(%dma_wait3A_783 : memref<16x768xf32, #tpu.memory_space<vmem>>)
    %dma_wait3A_790 = arith.constant 2 : i32
    %dma_wait3A_791 = arith.constant 0 : i32
    %dma_wait3A_792 = arith.constant 2 : i32
    %dma_wait3A_793 = arith.constant 0 : i32
    %dma_wait3A_794 = arith.constant 0 : i32
    %dma_wait3A_795 = tpu.memref_slice %arg8[%dma_wait3A_791, %dma_wait3A_792, %dma_wait3A_793, %dma_wait3A_794] : memref<2x4x16x768xf32, #tpu.memory_space<vmem>> -> memref<1x1x16x768xf32, #tpu.memory_space<vmem>>
    %dma_wait3A_796 = tpu.memref_squeeze %dma_wait3A_795 : memref<1x1x16x768xf32, #tpu.memory_space<vmem>> -> memref<16x768xf32, #tpu.memory_space<vmem>>
    %dma_wait3A_797 = arith.constant 32 : i32
    %dma_wait3A_798 = tpu.memref_slice %arg6[%dma_wait3A_790, %dma_wait3A_797] : memref<4x64xi32, #tpu.memory_space<vmem>> -> memref<1x16xi32, #tpu.memory_space<vmem>>
    %dma_wait3A_799 = tpu.memref_squeeze %dma_wait3A_798 : memref<1x16xi32, #tpu.memory_space<vmem>> -> memref<16xi32, #tpu.memory_space<vmem>>
    %dma_wait3A_800 = arith.constant 0 : i32
    %dma_wait3A_801 = arith.constant 0 : i32
    %dma_wait3A_802 = tpu.memref_slice %arg3[%dma_wait3A_800, %dma_wait3A_801] : memref<50257x768xf32, #tpu.memory_space<hbm>> -> memref<50257x768xf32, #tpu.memory_space<hbm>>
    tpu.wait_indirect_dma semaphore(%arg9 : memref<!tpu.dma_semaphore, #tpu.memory_space<semaphore_mem>>) src(%dma_wait3A_802 : memref<50257x768xf32, #tpu.memory_space<hbm>>) dst(%dma_wait3A_796 : memref<16x768xf32, #tpu.memory_space<vmem>>)
    %dma_wait3A_803 = arith.constant 3 : i32
    %dma_wait3A_804 = arith.constant 0 : i32
    %dma_wait3A_805 = arith.constant 3 : i32
    %dma_wait3A_806 = arith.constant 0 : i32
    %dma_wait3A_807 = arith.constant 0 : i32
    %dma_wait3A_808 = tpu.memref_slice %arg8[%dma_wait3A_804, %dma_wait3A_805, %dma_wait3A_806, %dma_wait3A_807] : memref<2x4x16x768xf32, #tpu.memory_space<vmem>> -> memref<1x1x16x768xf32, #tpu.memory_space<vmem>>
    %dma_wait3A_809 = tpu.memref_squeeze %dma_wait3A_808 : memref<1x1x16x768xf32, #tpu.memory_space<vmem>> -> memref<16x768xf32, #tpu.memory_space<vmem>>
    %dma_wait3A_810 = arith.constant 32 : i32
    %dma_wait3A_811 = tpu.memref_slice %arg6[%dma_wait3A_803, %dma_wait3A_810] : memref<4x64xi32, #tpu.memory_space<vmem>> -> memref<1x16xi32, #tpu.memory_space<vmem>>
    %dma_wait3A_812 = tpu.memref_squeeze %dma_wait3A_811 : memref<1x16xi32, #tpu.memory_space<vmem>> -> memref<16xi32, #tpu.memory_space<vmem>>
    %dma_wait3A_813 = arith.constant 0 : i32
    %dma_wait3A_814 = arith.constant 0 : i32
    %dma_wait3A_815 = tpu.memref_slice %arg3[%dma_wait3A_813, %dma_wait3A_814] : memref<50257x768xf32, #tpu.memory_space<hbm>> -> memref<50257x768xf32, #tpu.memory_space<hbm>>
    tpu.wait_indirect_dma semaphore(%arg9 : memref<!tpu.dma_semaphore, #tpu.memory_space<semaphore_mem>>) src(%dma_wait3A_815 : memref<50257x768xf32, #tpu.memory_space<hbm>>) dst(%dma_wait3A_809 : memref<16x768xf32, #tpu.memory_space<vmem>>)
    %add3A_816 = arith.constant 0 : i32
    %add3A_817 = arith.addi %add3A_816, %mul3A_2 : i32
    %add3A_818 = arith.constant 32 : i32
    %add3A_819 = arith.addi %add3A_817, %add3A_818 : i32
    %dma_start3A_820 = arith.constant 0 : i32
    %dma_start3A_821 = arith.constant 0 : i32
    %dma_start3A_822 = arith.constant 0 : i32
    %dma_start3A_823 = arith.constant 0 : i32
    %dma_start3A_824 = tpu.memref_slice %arg8[%dma_start3A_820, %dma_start3A_821, %dma_start3A_822, %dma_start3A_823] : memref<2x4x16x768xf32, #tpu.memory_space<vmem>> -> memref<1x1x16x768xf32, #tpu.memory_space<vmem>>
    %dma_start3A_825 = tpu.memref_squeeze %dma_start3A_824 : memref<1x1x16x768xf32, #tpu.memory_space<vmem>> -> memref<16x768xf32, #tpu.memory_space<vmem>>
    %dma_start3A_826 = arith.constant 0 : i32
    %dma_start3A_827 = tpu.memref_slice %arg5[%add3A_819, %dma_start3A_826] : memref<8192x768xf32, #tpu.memory_space<hbm>> -> memref<16x768xf32, #tpu.memory_space<hbm>>
    %dma_start3A_828 = arith.constant 0 : i32
    %dma_start3A_829 = tpu.memref_slice %arg5[%add3A_819, %dma_start3A_828] : memref<8192x768xf32, #tpu.memory_space<hbm>> -> memref<16x768xf32, #tpu.memory_space<hbm>>
    %dma_start3A_830 = arith.constant 0 : i32
    %dma_start3A_831 = arith.constant 0 : i32
    %dma_start3A_832 = tpu.memref_slice %arg8[%dma_start3A_820, %dma_start3A_821, %dma_start3A_830, %dma_start3A_831] : memref<2x4x16x768xf32, #tpu.memory_space<vmem>> -> memref<1x1x16x768xf32, #tpu.memory_space<vmem>>
    %dma_start3A_833 = tpu.memref_squeeze %dma_start3A_832 : memref<1x1x16x768xf32, #tpu.memory_space<vmem>> -> memref<16x768xf32, #tpu.memory_space<vmem>>
    tpu.enqueue_dma source(%dma_start3A_833 : memref<16x768xf32, #tpu.memory_space<vmem>>) target(%dma_start3A_829 : memref<16x768xf32, #tpu.memory_space<hbm>>) target_semaphore(%arg11 : memref<!tpu.dma_semaphore, #tpu.memory_space<semaphore_mem>>)
    %add3A_834 = arith.constant 2048 : i32
    %add3A_835 = arith.addi %add3A_834, %mul3A_2 : i32
    %add3A_836 = arith.constant 32 : i32
    %add3A_837 = arith.addi %add3A_835, %add3A_836 : i32
    %dma_start3A_838 = arith.constant 0 : i32
    %dma_start3A_839 = arith.constant 1 : i32
    %dma_start3A_840 = arith.constant 0 : i32
    %dma_start3A_841 = arith.constant 0 : i32
    %dma_start3A_842 = tpu.memref_slice %arg8[%dma_start3A_838, %dma_start3A_839, %dma_start3A_840, %dma_start3A_841] : memref<2x4x16x768xf32, #tpu.memory_space<vmem>> -> memref<1x1x16x768xf32, #tpu.memory_space<vmem>>
    %dma_start3A_843 = tpu.memref_squeeze %dma_start3A_842 : memref<1x1x16x768xf32, #tpu.memory_space<vmem>> -> memref<16x768xf32, #tpu.memory_space<vmem>>
    %dma_start3A_844 = arith.constant 0 : i32
    %dma_start3A_845 = tpu.memref_slice %arg5[%add3A_837, %dma_start3A_844] : memref<8192x768xf32, #tpu.memory_space<hbm>> -> memref<16x768xf32, #tpu.memory_space<hbm>>
    %dma_start3A_846 = arith.constant 0 : i32
    %dma_start3A_847 = tpu.memref_slice %arg5[%add3A_837, %dma_start3A_846] : memref<8192x768xf32, #tpu.memory_space<hbm>> -> memref<16x768xf32, #tpu.memory_space<hbm>>
    %dma_start3A_848 = arith.constant 0 : i32
    %dma_start3A_849 = arith.constant 0 : i32
    %dma_start3A_850 = tpu.memref_slice %arg8[%dma_start3A_838, %dma_start3A_839, %dma_start3A_848, %dma_start3A_849] : memref<2x4x16x768xf32, #tpu.memory_space<vmem>> -> memref<1x1x16x768xf32, #tpu.memory_space<vmem>>
    %dma_start3A_851 = tpu.memref_squeeze %dma_start3A_850 : memref<1x1x16x768xf32, #tpu.memory_space<vmem>> -> memref<16x768xf32, #tpu.memory_space<vmem>>
    tpu.enqueue_dma source(%dma_start3A_851 : memref<16x768xf32, #tpu.memory_space<vmem>>) target(%dma_start3A_847 : memref<16x768xf32, #tpu.memory_space<hbm>>) target_semaphore(%arg11 : memref<!tpu.dma_semaphore, #tpu.memory_space<semaphore_mem>>)
    %add3A_852 = arith.constant 4096 : i32
    %add3A_853 = arith.addi %add3A_852, %mul3A_2 : i32
    %add3A_854 = arith.constant 32 : i32
    %add3A_855 = arith.addi %add3A_853, %add3A_854 : i32
    %dma_start3A_856 = arith.constant 0 : i32
    %dma_start3A_857 = arith.constant 2 : i32
    %dma_start3A_858 = arith.constant 0 : i32
    %dma_start3A_859 = arith.constant 0 : i32
    %dma_start3A_860 = tpu.memref_slice %arg8[%dma_start3A_856, %dma_start3A_857, %dma_start3A_858, %dma_start3A_859] : memref<2x4x16x768xf32, #tpu.memory_space<vmem>> -> memref<1x1x16x768xf32, #tpu.memory_space<vmem>>
    %dma_start3A_861 = tpu.memref_squeeze %dma_start3A_860 : memref<1x1x16x768xf32, #tpu.memory_space<vmem>> -> memref<16x768xf32, #tpu.memory_space<vmem>>
    %dma_start3A_862 = arith.constant 0 : i32
    %dma_start3A_863 = tpu.memref_slice %arg5[%add3A_855, %dma_start3A_862] : memref<8192x768xf32, #tpu.memory_space<hbm>> -> memref<16x768xf32, #tpu.memory_space<hbm>>
    %dma_start3A_864 = arith.constant 0 : i32
    %dma_start3A_865 = tpu.memref_slice %arg5[%add3A_855, %dma_start3A_864] : memref<8192x768xf32, #tpu.memory_space<hbm>> -> memref<16x768xf32, #tpu.memory_space<hbm>>
    %dma_start3A_866 = arith.constant 0 : i32
    %dma_start3A_867 = arith.constant 0 : i32
    %dma_start3A_868 = tpu.memref_slice %arg8[%dma_start3A_856, %dma_start3A_857, %dma_start3A_866, %dma_start3A_867] : memref<2x4x16x768xf32, #tpu.memory_space<vmem>> -> memref<1x1x16x768xf32, #tpu.memory_space<vmem>>
    %dma_start3A_869 = tpu.memref_squeeze %dma_start3A_868 : memref<1x1x16x768xf32, #tpu.memory_space<vmem>> -> memref<16x768xf32, #tpu.memory_space<vmem>>
    tpu.enqueue_dma source(%dma_start3A_869 : memref<16x768xf32, #tpu.memory_space<vmem>>) target(%dma_start3A_865 : memref<16x768xf32, #tpu.memory_space<hbm>>) target_semaphore(%arg11 : memref<!tpu.dma_semaphore, #tpu.memory_space<semaphore_mem>>)
    %add3A_870 = arith.constant 6144 : i32
    %add3A_871 = arith.addi %add3A_870, %mul3A_2 : i32
    %add3A_872 = arith.constant 32 : i32
    %add3A_873 = arith.addi %add3A_871, %add3A_872 : i32
    %dma_start3A_874 = arith.constant 0 : i32
    %dma_start3A_875 = arith.constant 3 : i32
    %dma_start3A_876 = arith.constant 0 : i32
    %dma_start3A_877 = arith.constant 0 : i32
    %dma_start3A_878 = tpu.memref_slice %arg8[%dma_start3A_874, %dma_start3A_875, %dma_start3A_876, %dma_start3A_877] : memref<2x4x16x768xf32, #tpu.memory_space<vmem>> -> memref<1x1x16x768xf32, #tpu.memory_space<vmem>>
    %dma_start3A_879 = tpu.memref_squeeze %dma_start3A_878 : memref<1x1x16x768xf32, #tpu.memory_space<vmem>> -> memref<16x768xf32, #tpu.memory_space<vmem>>
    %dma_start3A_880 = arith.constant 0 : i32
    %dma_start3A_881 = tpu.memref_slice %arg5[%add3A_873, %dma_start3A_880] : memref<8192x768xf32, #tpu.memory_space<hbm>> -> memref<16x768xf32, #tpu.memory_space<hbm>>
    %dma_start3A_882 = arith.constant 0 : i32
    %dma_start3A_883 = tpu.memref_slice %arg5[%add3A_873, %dma_start3A_882] : memref<8192x768xf32, #tpu.memory_space<hbm>> -> memref<16x768xf32, #tpu.memory_space<hbm>>
    %dma_start3A_884 = arith.constant 0 : i32
    %dma_start3A_885 = arith.constant 0 : i32
    %dma_start3A_886 = tpu.memref_slice %arg8[%dma_start3A_874, %dma_start3A_875, %dma_start3A_884, %dma_start3A_885] : memref<2x4x16x768xf32, #tpu.memory_space<vmem>> -> memref<1x1x16x768xf32, #tpu.memory_space<vmem>>
    %dma_start3A_887 = tpu.memref_squeeze %dma_start3A_886 : memref<1x1x16x768xf32, #tpu.memory_space<vmem>> -> memref<16x768xf32, #tpu.memory_space<vmem>>
    tpu.enqueue_dma source(%dma_start3A_887 : memref<16x768xf32, #tpu.memory_space<vmem>>) target(%dma_start3A_883 : memref<16x768xf32, #tpu.memory_space<hbm>>) target_semaphore(%arg11 : memref<!tpu.dma_semaphore, #tpu.memory_space<semaphore_mem>>)
    %dma_wait3A_888 = arith.constant 1 : i32
    %dma_wait3A_889 = arith.constant 0 : i32
    %dma_wait3A_890 = arith.constant 0 : i32
    %dma_wait3A_891 = tpu.memref_slice %arg7[%dma_wait3A_888, %dma_wait3A_889, %dma_wait3A_890] : memref<2x16x768xf32, #tpu.memory_space<vmem>> -> memref<1x16x768xf32, #tpu.memory_space<vmem>>
    %dma_wait3A_892 = tpu.memref_squeeze %dma_wait3A_891 : memref<1x16x768xf32, #tpu.memory_space<vmem>> -> memref<16x768xf32, #tpu.memory_space<vmem>>
    %dma_wait3A_893 = arith.constant 0 : i32
    %dma_wait3A_894 = tpu.memref_slice %arg4[%add3A_685, %dma_wait3A_893] : memref<2048x768xf32, #tpu.memory_space<hbm>> -> memref<16x768xf32, #tpu.memory_space<hbm>>
    %dma_wait3A_895 = arith.constant 0 : i32
    %dma_wait3A_896 = arith.constant 0 : i32
    %dma_wait3A_897 = tpu.memref_slice %arg7[%dma_wait3A_888, %dma_wait3A_895, %dma_wait3A_896] : memref<2x16x768xf32, #tpu.memory_space<vmem>> -> memref<1x16x768xf32, #tpu.memory_space<vmem>>
    %dma_wait3A_898 = tpu.memref_squeeze %dma_wait3A_897 : memref<1x16x768xf32, #tpu.memory_space<vmem>> -> memref<16x768xf32, #tpu.memory_space<vmem>>
    %dma_wait3A_899 = arith.constant 0 : i32
    %dma_wait3A_900 = tpu.memref_slice %arg4[%add3A_685, %dma_wait3A_899] : memref<2048x768xf32, #tpu.memory_space<hbm>> -> memref<16x768xf32, #tpu.memory_space<hbm>>
    tpu.wait_dma2 semaphore(%arg10 : memref<!tpu.dma_semaphore, #tpu.memory_space<semaphore_mem>>) src(%dma_wait3A_900 : memref<16x768xf32, #tpu.memory_space<hbm>>) dst(%dma_wait3A_898 : memref<16x768xf32, #tpu.memory_space<vmem>>)
    %dma_wait3A_901 = arith.constant 0 : i32
    %dma_wait3A_902 = arith.constant 1 : i32
    %dma_wait3A_903 = arith.constant 0 : i32
    %dma_wait3A_904 = arith.constant 0 : i32
    %dma_wait3A_905 = arith.constant 0 : i32
    %dma_wait3A_906 = tpu.memref_slice %arg8[%dma_wait3A_902, %dma_wait3A_903, %dma_wait3A_904, %dma_wait3A_905] : memref<2x4x16x768xf32, #tpu.memory_space<vmem>> -> memref<1x1x16x768xf32, #tpu.memory_space<vmem>>
    %dma_wait3A_907 = tpu.memref_squeeze %dma_wait3A_906 : memref<1x1x16x768xf32, #tpu.memory_space<vmem>> -> memref<16x768xf32, #tpu.memory_space<vmem>>
    %dma_wait3A_908 = arith.constant 48 : i32
    %dma_wait3A_909 = tpu.memref_slice %arg6[%dma_wait3A_901, %dma_wait3A_908] : memref<4x64xi32, #tpu.memory_space<vmem>> -> memref<1x16xi32, #tpu.memory_space<vmem>>
    %dma_wait3A_910 = tpu.memref_squeeze %dma_wait3A_909 : memref<1x16xi32, #tpu.memory_space<vmem>> -> memref<16xi32, #tpu.memory_space<vmem>>
    %dma_wait3A_911 = arith.constant 0 : i32
    %dma_wait3A_912 = arith.constant 0 : i32
    %dma_wait3A_913 = tpu.memref_slice %arg3[%dma_wait3A_911, %dma_wait3A_912] : memref<50257x768xf32, #tpu.memory_space<hbm>> -> memref<50257x768xf32, #tpu.memory_space<hbm>>
    tpu.wait_indirect_dma semaphore(%arg9 : memref<!tpu.dma_semaphore, #tpu.memory_space<semaphore_mem>>) src(%dma_wait3A_913 : memref<50257x768xf32, #tpu.memory_space<hbm>>) dst(%dma_wait3A_907 : memref<16x768xf32, #tpu.memory_space<vmem>>)
    %dma_wait3A_914 = arith.constant 1 : i32
    %dma_wait3A_915 = arith.constant 1 : i32
    %dma_wait3A_916 = arith.constant 1 : i32
    %dma_wait3A_917 = arith.constant 0 : i32
    %dma_wait3A_918 = arith.constant 0 : i32
    %dma_wait3A_919 = tpu.memref_slice %arg8[%dma_wait3A_915, %dma_wait3A_916, %dma_wait3A_917, %dma_wait3A_918] : memref<2x4x16x768xf32, #tpu.memory_space<vmem>> -> memref<1x1x16x768xf32, #tpu.memory_space<vmem>>
    %dma_wait3A_920 = tpu.memref_squeeze %dma_wait3A_919 : memref<1x1x16x768xf32, #tpu.memory_space<vmem>> -> memref<16x768xf32, #tpu.memory_space<vmem>>
    %dma_wait3A_921 = arith.constant 48 : i32
    %dma_wait3A_922 = tpu.memref_slice %arg6[%dma_wait3A_914, %dma_wait3A_921] : memref<4x64xi32, #tpu.memory_space<vmem>> -> memref<1x16xi32, #tpu.memory_space<vmem>>
    %dma_wait3A_923 = tpu.memref_squeeze %dma_wait3A_922 : memref<1x16xi32, #tpu.memory_space<vmem>> -> memref<16xi32, #tpu.memory_space<vmem>>
    %dma_wait3A_924 = arith.constant 0 : i32
    %dma_wait3A_925 = arith.constant 0 : i32
    %dma_wait3A_926 = tpu.memref_slice %arg3[%dma_wait3A_924, %dma_wait3A_925] : memref<50257x768xf32, #tpu.memory_space<hbm>> -> memref<50257x768xf32, #tpu.memory_space<hbm>>
    tpu.wait_indirect_dma semaphore(%arg9 : memref<!tpu.dma_semaphore, #tpu.memory_space<semaphore_mem>>) src(%dma_wait3A_926 : memref<50257x768xf32, #tpu.memory_space<hbm>>) dst(%dma_wait3A_920 : memref<16x768xf32, #tpu.memory_space<vmem>>)
    %dma_wait3A_927 = arith.constant 2 : i32
    %dma_wait3A_928 = arith.constant 1 : i32
    %dma_wait3A_929 = arith.constant 2 : i32
    %dma_wait3A_930 = arith.constant 0 : i32
    %dma_wait3A_931 = arith.constant 0 : i32
    %dma_wait3A_932 = tpu.memref_slice %arg8[%dma_wait3A_928, %dma_wait3A_929, %dma_wait3A_930, %dma_wait3A_931] : memref<2x4x16x768xf32, #tpu.memory_space<vmem>> -> memref<1x1x16x768xf32, #tpu.memory_space<vmem>>
    %dma_wait3A_933 = tpu.memref_squeeze %dma_wait3A_932 : memref<1x1x16x768xf32, #tpu.memory_space<vmem>> -> memref<16x768xf32, #tpu.memory_space<vmem>>
    %dma_wait3A_934 = arith.constant 48 : i32
    %dma_wait3A_935 = tpu.memref_slice %arg6[%dma_wait3A_927, %dma_wait3A_934] : memref<4x64xi32, #tpu.memory_space<vmem>> -> memref<1x16xi32, #tpu.memory_space<vmem>>
    %dma_wait3A_936 = tpu.memref_squeeze %dma_wait3A_935 : memref<1x16xi32, #tpu.memory_space<vmem>> -> memref<16xi32, #tpu.memory_space<vmem>>
    %dma_wait3A_937 = arith.constant 0 : i32
    %dma_wait3A_938 = arith.constant 0 : i32
    %dma_wait3A_939 = tpu.memref_slice %arg3[%dma_wait3A_937, %dma_wait3A_938] : memref<50257x768xf32, #tpu.memory_space<hbm>> -> memref<50257x768xf32, #tpu.memory_space<hbm>>
    tpu.wait_indirect_dma semaphore(%arg9 : memref<!tpu.dma_semaphore, #tpu.memory_space<semaphore_mem>>) src(%dma_wait3A_939 : memref<50257x768xf32, #tpu.memory_space<hbm>>) dst(%dma_wait3A_933 : memref<16x768xf32, #tpu.memory_space<vmem>>)
    %dma_wait3A_940 = arith.constant 3 : i32
    %dma_wait3A_941 = arith.constant 1 : i32
    %dma_wait3A_942 = arith.constant 3 : i32
    %dma_wait3A_943 = arith.constant 0 : i32
    %dma_wait3A_944 = arith.constant 0 : i32
    %dma_wait3A_945 = tpu.memref_slice %arg8[%dma_wait3A_941, %dma_wait3A_942, %dma_wait3A_943, %dma_wait3A_944] : memref<2x4x16x768xf32, #tpu.memory_space<vmem>> -> memref<1x1x16x768xf32, #tpu.memory_space<vmem>>
    %dma_wait3A_946 = tpu.memref_squeeze %dma_wait3A_945 : memref<1x1x16x768xf32, #tpu.memory_space<vmem>> -> memref<16x768xf32, #tpu.memory_space<vmem>>
    %dma_wait3A_947 = arith.constant 48 : i32
    %dma_wait3A_948 = tpu.memref_slice %arg6[%dma_wait3A_940, %dma_wait3A_947] : memref<4x64xi32, #tpu.memory_space<vmem>> -> memref<1x16xi32, #tpu.memory_space<vmem>>
    %dma_wait3A_949 = tpu.memref_squeeze %dma_wait3A_948 : memref<1x16xi32, #tpu.memory_space<vmem>> -> memref<16xi32, #tpu.memory_space<vmem>>
    %dma_wait3A_950 = arith.constant 0 : i32
    %dma_wait3A_951 = arith.constant 0 : i32
    %dma_wait3A_952 = tpu.memref_slice %arg3[%dma_wait3A_950, %dma_wait3A_951] : memref<50257x768xf32, #tpu.memory_space<hbm>> -> memref<50257x768xf32, #tpu.memory_space<hbm>>
    tpu.wait_indirect_dma semaphore(%arg9 : memref<!tpu.dma_semaphore, #tpu.memory_space<semaphore_mem>>) src(%dma_wait3A_952 : memref<50257x768xf32, #tpu.memory_space<hbm>>) dst(%dma_wait3A_946 : memref<16x768xf32, #tpu.memory_space<vmem>>)
    %add3A_953 = arith.constant 0 : i32
    %add3A_954 = arith.addi %add3A_953, %mul3A_2 : i32
    %add3A_955 = arith.constant 48 : i32
    %add3A_956 = arith.addi %add3A_954, %add3A_955 : i32
    %dma_start3A_957 = arith.constant 1 : i32
    %dma_start3A_958 = arith.constant 0 : i32
    %dma_start3A_959 = arith.constant 0 : i32
    %dma_start3A_960 = arith.constant 0 : i32
    %dma_start3A_961 = tpu.memref_slice %arg8[%dma_start3A_957, %dma_start3A_958, %dma_start3A_959, %dma_start3A_960] : memref<2x4x16x768xf32, #tpu.memory_space<vmem>> -> memref<1x1x16x768xf32, #tpu.memory_space<vmem>>
    %dma_start3A_962 = tpu.memref_squeeze %dma_start3A_961 : memref<1x1x16x768xf32, #tpu.memory_space<vmem>> -> memref<16x768xf32, #tpu.memory_space<vmem>>
    %dma_start3A_963 = arith.constant 0 : i32
    %dma_start3A_964 = tpu.memref_slice %arg5[%add3A_956, %dma_start3A_963] : memref<8192x768xf32, #tpu.memory_space<hbm>> -> memref<16x768xf32, #tpu.memory_space<hbm>>
    %dma_start3A_965 = arith.constant 0 : i32
    %dma_start3A_966 = tpu.memref_slice %arg5[%add3A_956, %dma_start3A_965] : memref<8192x768xf32, #tpu.memory_space<hbm>> -> memref<16x768xf32, #tpu.memory_space<hbm>>
    %dma_start3A_967 = arith.constant 0 : i32
    %dma_start3A_968 = arith.constant 0 : i32
    %dma_start3A_969 = tpu.memref_slice %arg8[%dma_start3A_957, %dma_start3A_958, %dma_start3A_967, %dma_start3A_968] : memref<2x4x16x768xf32, #tpu.memory_space<vmem>> -> memref<1x1x16x768xf32, #tpu.memory_space<vmem>>
    %dma_start3A_970 = tpu.memref_squeeze %dma_start3A_969 : memref<1x1x16x768xf32, #tpu.memory_space<vmem>> -> memref<16x768xf32, #tpu.memory_space<vmem>>
    tpu.enqueue_dma source(%dma_start3A_970 : memref<16x768xf32, #tpu.memory_space<vmem>>) target(%dma_start3A_966 : memref<16x768xf32, #tpu.memory_space<hbm>>) target_semaphore(%arg11 : memref<!tpu.dma_semaphore, #tpu.memory_space<semaphore_mem>>)
    %add3A_971 = arith.constant 2048 : i32
    %add3A_972 = arith.addi %add3A_971, %mul3A_2 : i32
    %add3A_973 = arith.constant 48 : i32
    %add3A_974 = arith.addi %add3A_972, %add3A_973 : i32
    %dma_start3A_975 = arith.constant 1 : i32
    %dma_start3A_976 = arith.constant 1 : i32
    %dma_start3A_977 = arith.constant 0 : i32
    %dma_start3A_978 = arith.constant 0 : i32
    %dma_start3A_979 = tpu.memref_slice %arg8[%dma_start3A_975, %dma_start3A_976, %dma_start3A_977, %dma_start3A_978] : memref<2x4x16x768xf32, #tpu.memory_space<vmem>> -> memref<1x1x16x768xf32, #tpu.memory_space<vmem>>
    %dma_start3A_980 = tpu.memref_squeeze %dma_start3A_979 : memref<1x1x16x768xf32, #tpu.memory_space<vmem>> -> memref<16x768xf32, #tpu.memory_space<vmem>>
    %dma_start3A_981 = arith.constant 0 : i32
    %dma_start3A_982 = tpu.memref_slice %arg5[%add3A_974, %dma_start3A_981] : memref<8192x768xf32, #tpu.memory_space<hbm>> -> memref<16x768xf32, #tpu.memory_space<hbm>>
    %dma_start3A_983 = arith.constant 0 : i32
    %dma_start3A_984 = tpu.memref_slice %arg5[%add3A_974, %dma_start3A_983] : memref<8192x768xf32, #tpu.memory_space<hbm>> -> memref<16x768xf32, #tpu.memory_space<hbm>>
    %dma_start3A_985 = arith.constant 0 : i32
    %dma_start3A_986 = arith.constant 0 : i32
    %dma_start3A_987 = tpu.memref_slice %arg8[%dma_start3A_975, %dma_start3A_976, %dma_start3A_985, %dma_start3A_986] : memref<2x4x16x768xf32, #tpu.memory_space<vmem>> -> memref<1x1x16x768xf32, #tpu.memory_space<vmem>>
    %dma_start3A_988 = tpu.memref_squeeze %dma_start3A_987 : memref<1x1x16x768xf32, #tpu.memory_space<vmem>> -> memref<16x768xf32, #tpu.memory_space<vmem>>
    tpu.enqueue_dma source(%dma_start3A_988 : memref<16x768xf32, #tpu.memory_space<vmem>>) target(%dma_start3A_984 : memref<16x768xf32, #tpu.memory_space<hbm>>) target_semaphore(%arg11 : memref<!tpu.dma_semaphore, #tpu.memory_space<semaphore_mem>>)
    %add3A_989 = arith.constant 4096 : i32
    %add3A_990 = arith.addi %add3A_989, %mul3A_2 : i32
    %add3A_991 = arith.constant 48 : i32
    %add3A_992 = arith.addi %add3A_990, %add3A_991 : i32
    %dma_start3A_993 = arith.constant 1 : i32
    %dma_start3A_994 = arith.constant 2 : i32
    %dma_start3A_995 = arith.constant 0 : i32
    %dma_start3A_996 = arith.constant 0 : i32
    %dma_start3A_997 = tpu.memref_slice %arg8[%dma_start3A_993, %dma_start3A_994, %dma_start3A_995, %dma_start3A_996] : memref<2x4x16x768xf32, #tpu.memory_space<vmem>> -> memref<1x1x16x768xf32, #tpu.memory_space<vmem>>
    %dma_start3A_998 = tpu.memref_squeeze %dma_start3A_997 : memref<1x1x16x768xf32, #tpu.memory_space<vmem>> -> memref<16x768xf32, #tpu.memory_space<vmem>>
    %dma_start3A_999 = arith.constant 0 : i32
    %dma_start3A_1000 = tpu.memref_slice %arg5[%add3A_992, %dma_start3A_999] : memref<8192x768xf32, #tpu.memory_space<hbm>> -> memref<16x768xf32, #tpu.memory_space<hbm>>
    %dma_start3A_1001 = arith.constant 0 : i32
    %dma_start3A_1002 = tpu.memref_slice %arg5[%add3A_992, %dma_start3A_1001] : memref<8192x768xf32, #tpu.memory_space<hbm>> -> memref<16x768xf32, #tpu.memory_space<hbm>>
    %dma_start3A_1003 = arith.constant 0 : i32
    %dma_start3A_1004 = arith.constant 0 : i32
    %dma_start3A_1005 = tpu.memref_slice %arg8[%dma_start3A_993, %dma_start3A_994, %dma_start3A_1003, %dma_start3A_1004] : memref<2x4x16x768xf32, #tpu.memory_space<vmem>> -> memref<1x1x16x768xf32, #tpu.memory_space<vmem>>
    %dma_start3A_1006 = tpu.memref_squeeze %dma_start3A_1005 : memref<1x1x16x768xf32, #tpu.memory_space<vmem>> -> memref<16x768xf32, #tpu.memory_space<vmem>>
    tpu.enqueue_dma source(%dma_start3A_1006 : memref<16x768xf32, #tpu.memory_space<vmem>>) target(%dma_start3A_1002 : memref<16x768xf32, #tpu.memory_space<hbm>>) target_semaphore(%arg11 : memref<!tpu.dma_semaphore, #tpu.memory_space<semaphore_mem>>)
    %add3A_1007 = arith.constant 6144 : i32
    %add3A_1008 = arith.addi %add3A_1007, %mul3A_2 : i32
    %add3A_1009 = arith.constant 48 : i32
    %add3A_1010 = arith.addi %add3A_1008, %add3A_1009 : i32
    %dma_start3A_1011 = arith.constant 1 : i32
    %dma_start3A_1012 = arith.constant 3 : i32
    %dma_start3A_1013 = arith.constant 0 : i32
    %dma_start3A_1014 = arith.constant 0 : i32
    %dma_start3A_1015 = tpu.memref_slice %arg8[%dma_start3A_1011, %dma_start3A_1012, %dma_start3A_1013, %dma_start3A_1014] : memref<2x4x16x768xf32, #tpu.memory_space<vmem>> -> memref<1x1x16x768xf32, #tpu.memory_space<vmem>>
    %dma_start3A_1016 = tpu.memref_squeeze %dma_start3A_1015 : memref<1x1x16x768xf32, #tpu.memory_space<vmem>> -> memref<16x768xf32, #tpu.memory_space<vmem>>
    %dma_start3A_1017 = arith.constant 0 : i32
    %dma_start3A_1018 = tpu.memref_slice %arg5[%add3A_1010, %dma_start3A_1017] : memref<8192x768xf32, #tpu.memory_space<hbm>> -> memref<16x768xf32, #tpu.memory_space<hbm>>
    %dma_start3A_1019 = arith.constant 0 : i32
    %dma_start3A_1020 = tpu.memref_slice %arg5[%add3A_1010, %dma_start3A_1019] : memref<8192x768xf32, #tpu.memory_space<hbm>> -> memref<16x768xf32, #tpu.memory_space<hbm>>
    %dma_start3A_1021 = arith.constant 0 : i32
    %dma_start3A_1022 = arith.constant 0 : i32
    %dma_start3A_1023 = tpu.memref_slice %arg8[%dma_start3A_1011, %dma_start3A_1012, %dma_start3A_1021, %dma_start3A_1022] : memref<2x4x16x768xf32, #tpu.memory_space<vmem>> -> memref<1x1x16x768xf32, #tpu.memory_space<vmem>>
    %dma_start3A_1024 = tpu.memref_squeeze %dma_start3A_1023 : memref<1x1x16x768xf32, #tpu.memory_space<vmem>> -> memref<16x768xf32, #tpu.memory_space<vmem>>
    tpu.enqueue_dma source(%dma_start3A_1024 : memref<16x768xf32, #tpu.memory_space<vmem>>) target(%dma_start3A_1020 : memref<16x768xf32, #tpu.memory_space<hbm>>) target_semaphore(%arg11 : memref<!tpu.dma_semaphore, #tpu.memory_space<semaphore_mem>>)
    %dma_wait3A_1025 = arith.constant 0 : i32
    %dma_wait3A_1026 = arith.constant 0 : i32
    %dma_wait3A_1027 = arith.constant 0 : i32
    %dma_wait3A_1028 = arith.constant 0 : i32
    %dma_wait3A_1029 = tpu.memref_slice %arg8[%dma_wait3A_1025, %dma_wait3A_1026, %dma_wait3A_1027, %dma_wait3A_1028] : memref<2x4x16x768xf32, #tpu.memory_space<vmem>> -> memref<1x1x16x768xf32, #tpu.memory_space<vmem>>
    %dma_wait3A_1030 = tpu.memref_squeeze %dma_wait3A_1029 : memref<1x1x16x768xf32, #tpu.memory_space<vmem>> -> memref<16x768xf32, #tpu.memory_space<vmem>>
    %dma_wait3A_1031 = arith.constant 0 : i32
    %dma_wait3A_1032 = tpu.memref_slice %arg5[%add3A_819, %dma_wait3A_1031] : memref<8192x768xf32, #tpu.memory_space<hbm>> -> memref<16x768xf32, #tpu.memory_space<hbm>>
    %dma_wait3A_1033 = arith.constant 0 : i32
    %dma_wait3A_1034 = tpu.memref_slice %arg5[%add3A_819, %dma_wait3A_1033] : memref<8192x768xf32, #tpu.memory_space<hbm>> -> memref<16x768xf32, #tpu.memory_space<hbm>>
    %dma_wait3A_1035 = arith.constant 0 : i32
    %dma_wait3A_1036 = arith.constant 0 : i32
    %dma_wait3A_1037 = tpu.memref_slice %arg8[%dma_wait3A_1025, %dma_wait3A_1026, %dma_wait3A_1035, %dma_wait3A_1036] : memref<2x4x16x768xf32, #tpu.memory_space<vmem>> -> memref<1x1x16x768xf32, #tpu.memory_space<vmem>>
    %dma_wait3A_1038 = tpu.memref_squeeze %dma_wait3A_1037 : memref<1x1x16x768xf32, #tpu.memory_space<vmem>> -> memref<16x768xf32, #tpu.memory_space<vmem>>
    tpu.wait_dma2 semaphore(%arg11 : memref<!tpu.dma_semaphore, #tpu.memory_space<semaphore_mem>>) src(%dma_wait3A_1038 : memref<16x768xf32, #tpu.memory_space<vmem>>) dst(%dma_wait3A_1034 : memref<16x768xf32, #tpu.memory_space<hbm>>)
    %dma_wait3A_1039 = arith.constant 0 : i32
    %dma_wait3A_1040 = arith.constant 1 : i32
    %dma_wait3A_1041 = arith.constant 0 : i32
    %dma_wait3A_1042 = arith.constant 0 : i32
    %dma_wait3A_1043 = tpu.memref_slice %arg8[%dma_wait3A_1039, %dma_wait3A_1040, %dma_wait3A_1041, %dma_wait3A_1042] : memref<2x4x16x768xf32, #tpu.memory_space<vmem>> -> memref<1x1x16x768xf32, #tpu.memory_space<vmem>>
    %dma_wait3A_1044 = tpu.memref_squeeze %dma_wait3A_1043 : memref<1x1x16x768xf32, #tpu.memory_space<vmem>> -> memref<16x768xf32, #tpu.memory_space<vmem>>
    %dma_wait3A_1045 = arith.constant 0 : i32
    %dma_wait3A_1046 = tpu.memref_slice %arg5[%add3A_837, %dma_wait3A_1045] : memref<8192x768xf32, #tpu.memory_space<hbm>> -> memref<16x768xf32, #tpu.memory_space<hbm>>
    %dma_wait3A_1047 = arith.constant 0 : i32
    %dma_wait3A_1048 = tpu.memref_slice %arg5[%add3A_837, %dma_wait3A_1047] : memref<8192x768xf32, #tpu.memory_space<hbm>> -> memref<16x768xf32, #tpu.memory_space<hbm>>
    %dma_wait3A_1049 = arith.constant 0 : i32
    %dma_wait3A_1050 = arith.constant 0 : i32
    %dma_wait3A_1051 = tpu.memref_slice %arg8[%dma_wait3A_1039, %dma_wait3A_1040, %dma_wait3A_1049, %dma_wait3A_1050] : memref<2x4x16x768xf32, #tpu.memory_space<vmem>> -> memref<1x1x16x768xf32, #tpu.memory_space<vmem>>
    %dma_wait3A_1052 = tpu.memref_squeeze %dma_wait3A_1051 : memref<1x1x16x768xf32, #tpu.memory_space<vmem>> -> memref<16x768xf32, #tpu.memory_space<vmem>>
    tpu.wait_dma2 semaphore(%arg11 : memref<!tpu.dma_semaphore, #tpu.memory_space<semaphore_mem>>) src(%dma_wait3A_1052 : memref<16x768xf32, #tpu.memory_space<vmem>>) dst(%dma_wait3A_1048 : memref<16x768xf32, #tpu.memory_space<hbm>>)
    %dma_wait3A_1053 = arith.constant 0 : i32
    %dma_wait3A_1054 = arith.constant 2 : i32
    %dma_wait3A_1055 = arith.constant 0 : i32
    %dma_wait3A_1056 = arith.constant 0 : i32
    %dma_wait3A_1057 = tpu.memref_slice %arg8[%dma_wait3A_1053, %dma_wait3A_1054, %dma_wait3A_1055, %dma_wait3A_1056] : memref<2x4x16x768xf32, #tpu.memory_space<vmem>> -> memref<1x1x16x768xf32, #tpu.memory_space<vmem>>
    %dma_wait3A_1058 = tpu.memref_squeeze %dma_wait3A_1057 : memref<1x1x16x768xf32, #tpu.memory_space<vmem>> -> memref<16x768xf32, #tpu.memory_space<vmem>>
    %dma_wait3A_1059 = arith.constant 0 : i32
    %dma_wait3A_1060 = tpu.memref_slice %arg5[%add3A_855, %dma_wait3A_1059] : memref<8192x768xf32, #tpu.memory_space<hbm>> -> memref<16x768xf32, #tpu.memory_space<hbm>>
    %dma_wait3A_1061 = arith.constant 0 : i32
    %dma_wait3A_1062 = tpu.memref_slice %arg5[%add3A_855, %dma_wait3A_1061] : memref<8192x768xf32, #tpu.memory_space<hbm>> -> memref<16x768xf32, #tpu.memory_space<hbm>>
    %dma_wait3A_1063 = arith.constant 0 : i32
    %dma_wait3A_1064 = arith.constant 0 : i32
    %dma_wait3A_1065 = tpu.memref_slice %arg8[%dma_wait3A_1053, %dma_wait3A_1054, %dma_wait3A_1063, %dma_wait3A_1064] : memref<2x4x16x768xf32, #tpu.memory_space<vmem>> -> memref<1x1x16x768xf32, #tpu.memory_space<vmem>>
    %dma_wait3A_1066 = tpu.memref_squeeze %dma_wait3A_1065 : memref<1x1x16x768xf32, #tpu.memory_space<vmem>> -> memref<16x768xf32, #tpu.memory_space<vmem>>
    tpu.wait_dma2 semaphore(%arg11 : memref<!tpu.dma_semaphore, #tpu.memory_space<semaphore_mem>>) src(%dma_wait3A_1066 : memref<16x768xf32, #tpu.memory_space<vmem>>) dst(%dma_wait3A_1062 : memref<16x768xf32, #tpu.memory_space<hbm>>)
    %dma_wait3A_1067 = arith.constant 0 : i32
    %dma_wait3A_1068 = arith.constant 3 : i32
    %dma_wait3A_1069 = arith.constant 0 : i32
    %dma_wait3A_1070 = arith.constant 0 : i32
    %dma_wait3A_1071 = tpu.memref_slice %arg8[%dma_wait3A_1067, %dma_wait3A_1068, %dma_wait3A_1069, %dma_wait3A_1070] : memref<2x4x16x768xf32, #tpu.memory_space<vmem>> -> memref<1x1x16x768xf32, #tpu.memory_space<vmem>>
    %dma_wait3A_1072 = tpu.memref_squeeze %dma_wait3A_1071 : memref<1x1x16x768xf32, #tpu.memory_space<vmem>> -> memref<16x768xf32, #tpu.memory_space<vmem>>
    %dma_wait3A_1073 = arith.constant 0 : i32
    %dma_wait3A_1074 = tpu.memref_slice %arg5[%add3A_873, %dma_wait3A_1073] : memref<8192x768xf32, #tpu.memory_space<hbm>> -> memref<16x768xf32, #tpu.memory_space<hbm>>
    %dma_wait3A_1075 = arith.constant 0 : i32
    %dma_wait3A_1076 = tpu.memref_slice %arg5[%add3A_873, %dma_wait3A_1075] : memref<8192x768xf32, #tpu.memory_space<hbm>> -> memref<16x768xf32, #tpu.memory_space<hbm>>
    %dma_wait3A_1077 = arith.constant 0 : i32
    %dma_wait3A_1078 = arith.constant 0 : i32
    %dma_wait3A_1079 = tpu.memref_slice %arg8[%dma_wait3A_1067, %dma_wait3A_1068, %dma_wait3A_1077, %dma_wait3A_1078] : memref<2x4x16x768xf32, #tpu.memory_space<vmem>> -> memref<1x1x16x768xf32, #tpu.memory_space<vmem>>
    %dma_wait3A_1080 = tpu.memref_squeeze %dma_wait3A_1079 : memref<1x1x16x768xf32, #tpu.memory_space<vmem>> -> memref<16x768xf32, #tpu.memory_space<vmem>>
    tpu.wait_dma2 semaphore(%arg11 : memref<!tpu.dma_semaphore, #tpu.memory_space<semaphore_mem>>) src(%dma_wait3A_1080 : memref<16x768xf32, #tpu.memory_space<vmem>>) dst(%dma_wait3A_1076 : memref<16x768xf32, #tpu.memory_space<hbm>>)
    %dma_wait3A_1081 = arith.constant 1 : i32
    %dma_wait3A_1082 = arith.constant 0 : i32
    %dma_wait3A_1083 = arith.constant 0 : i32
    %dma_wait3A_1084 = arith.constant 0 : i32
    %dma_wait3A_1085 = tpu.memref_slice %arg8[%dma_wait3A_1081, %dma_wait3A_1082, %dma_wait3A_1083, %dma_wait3A_1084] : memref<2x4x16x768xf32, #tpu.memory_space<vmem>> -> memref<1x1x16x768xf32, #tpu.memory_space<vmem>>
    %dma_wait3A_1086 = tpu.memref_squeeze %dma_wait3A_1085 : memref<1x1x16x768xf32, #tpu.memory_space<vmem>> -> memref<16x768xf32, #tpu.memory_space<vmem>>
    %dma_wait3A_1087 = arith.constant 0 : i32
    %dma_wait3A_1088 = tpu.memref_slice %arg5[%add3A_956, %dma_wait3A_1087] : memref<8192x768xf32, #tpu.memory_space<hbm>> -> memref<16x768xf32, #tpu.memory_space<hbm>>
    %dma_wait3A_1089 = arith.constant 0 : i32
    %dma_wait3A_1090 = tpu.memref_slice %arg5[%add3A_956, %dma_wait3A_1089] : memref<8192x768xf32, #tpu.memory_space<hbm>> -> memref<16x768xf32, #tpu.memory_space<hbm>>
    %dma_wait3A_1091 = arith.constant 0 : i32
    %dma_wait3A_1092 = arith.constant 0 : i32
    %dma_wait3A_1093 = tpu.memref_slice %arg8[%dma_wait3A_1081, %dma_wait3A_1082, %dma_wait3A_1091, %dma_wait3A_1092] : memref<2x4x16x768xf32, #tpu.memory_space<vmem>> -> memref<1x1x16x768xf32, #tpu.memory_space<vmem>>
    %dma_wait3A_1094 = tpu.memref_squeeze %dma_wait3A_1093 : memref<1x1x16x768xf32, #tpu.memory_space<vmem>> -> memref<16x768xf32, #tpu.memory_space<vmem>>
    tpu.wait_dma2 semaphore(%arg11 : memref<!tpu.dma_semaphore, #tpu.memory_space<semaphore_mem>>) src(%dma_wait3A_1094 : memref<16x768xf32, #tpu.memory_space<vmem>>) dst(%dma_wait3A_1090 : memref<16x768xf32, #tpu.memory_space<hbm>>)
    %dma_wait3A_1095 = arith.constant 1 : i32
    %dma_wait3A_1096 = arith.constant 1 : i32
    %dma_wait3A_1097 = arith.constant 0 : i32
    %dma_wait3A_1098 = arith.constant 0 : i32
    %dma_wait3A_1099 = tpu.memref_slice %arg8[%dma_wait3A_1095, %dma_wait3A_1096, %dma_wait3A_1097, %dma_wait3A_1098] : memref<2x4x16x768xf32, #tpu.memory_space<vmem>> -> memref<1x1x16x768xf32, #tpu.memory_space<vmem>>
    %dma_wait3A_1100 = tpu.memref_squeeze %dma_wait3A_1099 : memref<1x1x16x768xf32, #tpu.memory_space<vmem>> -> memref<16x768xf32, #tpu.memory_space<vmem>>
    %dma_wait3A_1101 = arith.constant 0 : i32
    %dma_wait3A_1102 = tpu.memref_slice %arg5[%add3A_974, %dma_wait3A_1101] : memref<8192x768xf32, #tpu.memory_space<hbm>> -> memref<16x768xf32, #tpu.memory_space<hbm>>
    %dma_wait3A_1103 = arith.constant 0 : i32
    %dma_wait3A_1104 = tpu.memref_slice %arg5[%add3A_974, %dma_wait3A_1103] : memref<8192x768xf32, #tpu.memory_space<hbm>> -> memref<16x768xf32, #tpu.memory_space<hbm>>
    %dma_wait3A_1105 = arith.constant 0 : i32
    %dma_wait3A_1106 = arith.constant 0 : i32
    %dma_wait3A_1107 = tpu.memref_slice %arg8[%dma_wait3A_1095, %dma_wait3A_1096, %dma_wait3A_1105, %dma_wait3A_1106] : memref<2x4x16x768xf32, #tpu.memory_space<vmem>> -> memref<1x1x16x768xf32, #tpu.memory_space<vmem>>
    %dma_wait3A_1108 = tpu.memref_squeeze %dma_wait3A_1107 : memref<1x1x16x768xf32, #tpu.memory_space<vmem>> -> memref<16x768xf32, #tpu.memory_space<vmem>>
    tpu.wait_dma2 semaphore(%arg11 : memref<!tpu.dma_semaphore, #tpu.memory_space<semaphore_mem>>) src(%dma_wait3A_1108 : memref<16x768xf32, #tpu.memory_space<vmem>>) dst(%dma_wait3A_1104 : memref<16x768xf32, #tpu.memory_space<hbm>>)
    %dma_wait3A_1109 = arith.constant 1 : i32
    %dma_wait3A_1110 = arith.constant 2 : i32
    %dma_wait3A_1111 = arith.constant 0 : i32
    %dma_wait3A_1112 = arith.constant 0 : i32
    %dma_wait3A_1113 = tpu.memref_slice %arg8[%dma_wait3A_1109, %dma_wait3A_1110, %dma_wait3A_1111, %dma_wait3A_1112] : memref<2x4x16x768xf32, #tpu.memory_space<vmem>> -> memref<1x1x16x768xf32, #tpu.memory_space<vmem>>
    %dma_wait3A_1114 = tpu.memref_squeeze %dma_wait3A_1113 : memref<1x1x16x768xf32, #tpu.memory_space<vmem>> -> memref<16x768xf32, #tpu.memory_space<vmem>>
    %dma_wait3A_1115 = arith.constant 0 : i32
    %dma_wait3A_1116 = tpu.memref_slice %arg5[%add3A_992, %dma_wait3A_1115] : memref<8192x768xf32, #tpu.memory_space<hbm>> -> memref<16x768xf32, #tpu.memory_space<hbm>>
    %dma_wait3A_1117 = arith.constant 0 : i32
    %dma_wait3A_1118 = tpu.memref_slice %arg5[%add3A_992, %dma_wait3A_1117] : memref<8192x768xf32, #tpu.memory_space<hbm>> -> memref<16x768xf32, #tpu.memory_space<hbm>>
    %dma_wait3A_1119 = arith.constant 0 : i32
    %dma_wait3A_1120 = arith.constant 0 : i32
    %dma_wait3A_1121 = tpu.memref_slice %arg8[%dma_wait3A_1109, %dma_wait3A_1110, %dma_wait3A_1119, %dma_wait3A_1120] : memref<2x4x16x768xf32, #tpu.memory_space<vmem>> -> memref<1x1x16x768xf32, #tpu.memory_space<vmem>>
    %dma_wait3A_1122 = tpu.memref_squeeze %dma_wait3A_1121 : memref<1x1x16x768xf32, #tpu.memory_space<vmem>> -> memref<16x768xf32, #tpu.memory_space<vmem>>
    tpu.wait_dma2 semaphore(%arg11 : memref<!tpu.dma_semaphore, #tpu.memory_space<semaphore_mem>>) src(%dma_wait3A_1122 : memref<16x768xf32, #tpu.memory_space<vmem>>) dst(%dma_wait3A_1118 : memref<16x768xf32, #tpu.memory_space<hbm>>)
    %dma_wait3A_1123 = arith.constant 1 : i32
    %dma_wait3A_1124 = arith.constant 3 : i32
    %dma_wait3A_1125 = arith.constant 0 : i32
    %dma_wait3A_1126 = arith.constant 0 : i32
    %dma_wait3A_1127 = tpu.memref_slice %arg8[%dma_wait3A_1123, %dma_wait3A_1124, %dma_wait3A_1125, %dma_wait3A_1126] : memref<2x4x16x768xf32, #tpu.memory_space<vmem>> -> memref<1x1x16x768xf32, #tpu.memory_space<vmem>>
    %dma_wait3A_1128 = tpu.memref_squeeze %dma_wait3A_1127 : memref<1x1x16x768xf32, #tpu.memory_space<vmem>> -> memref<16x768xf32, #tpu.memory_space<vmem>>
    %dma_wait3A_1129 = arith.constant 0 : i32
    %dma_wait3A_1130 = tpu.memref_slice %arg5[%add3A_1010, %dma_wait3A_1129] : memref<8192x768xf32, #tpu.memory_space<hbm>> -> memref<16x768xf32, #tpu.memory_space<hbm>>
    %dma_wait3A_1131 = arith.constant 0 : i32
    %dma_wait3A_1132 = tpu.memref_slice %arg5[%add3A_1010, %dma_wait3A_1131] : memref<8192x768xf32, #tpu.memory_space<hbm>> -> memref<16x768xf32, #tpu.memory_space<hbm>>
    %dma_wait3A_1133 = arith.constant 0 : i32
    %dma_wait3A_1134 = arith.constant 0 : i32
    %dma_wait3A_1135 = tpu.memref_slice %arg8[%dma_wait3A_1123, %dma_wait3A_1124, %dma_wait3A_1133, %dma_wait3A_1134] : memref<2x4x16x768xf32, #tpu.memory_space<vmem>> -> memref<1x1x16x768xf32, #tpu.memory_space<vmem>>
    %dma_wait3A_1136 = tpu.memref_squeeze %dma_wait3A_1135 : memref<1x1x16x768xf32, #tpu.memory_space<vmem>> -> memref<16x768xf32, #tpu.memory_space<vmem>>
    tpu.wait_dma2 semaphore(%arg11 : memref<!tpu.dma_semaphore, #tpu.memory_space<semaphore_mem>>) src(%dma_wait3A_1136 : memref<16x768xf32, #tpu.memory_space<vmem>>) dst(%dma_wait3A_1132 : memref<16x768xf32, #tpu.memory_space<hbm>>)
    return
  }
}

</mosaic_0001>

<sc_bundles>
// kernel: _run.3.cloned.1.call-start
scs
__scs_entry_jumppad:
0x0: {  	(pc) =	sbr.rel $0x88, $3  }
0x1: {  	(tag) =	ssettag $0x0;
	lr =	simm.s32 $0x1  }
0x2: {  	[smem:$0x3F9E] =	sst lr;
	_ =	strace $0xD0000000  }
0x3: {  	_ = 	snop  }
0x4: {  	_ = 	snop  }
0x5: {  	_ = 	snop  }
0x6: {  	_ = 	snop  }
0x7: {  	_ = 	snop  }
__scs_overlays_trampoline_lowered:
0x8: {  	[smem:$0x3FAD] =	sst s0  }
0x9: {  	[smem:$0x3FAE] =	sst s1  }
0xa: {  	[smem:$0x3FAF] =	sst s2  }
0xb: {  	[smem:$0x3FB0] =	sst s3  }
0xc: {  	[smem:$0x3FB1] =	sst s4  }
0xd: {  	[smem:$0x3FB2] =	sst s5  }
0xe: {  	[smem:$0x3FB3] =	sst s6  }
0xf: {  	[smem:$0x3FB4] =	sst s7  }
0x10: {  	[smem:$0x3FB5] =	sst s8  }
0x11: {  	[smem:$0x3FB6] =	sst s9;
	s0 =	simm.s32 @!p0 $0x0  }
0x12: {  	s1 =	sld [smem:$0x3F9C];
	s0 =	simm.s32 @p0 $0x1  }
0x13: {  	[smem:$0x3FB7] =	sst s0;
	s0 =	simm.s32 @!p1 $0x0  }
0x14: {  	s2 =	sld [smem:$0x3F9B];
	s0 =	simm.s32 @p1 $0x1  }
0x15: {  	[smem:$0x3FB8] =	sst s0;
	s0 =	simm.s32 @!p2 $0x0  }
0x16: {  	s3 =	sld [smem:$0x3FDB];
	s0 =	simm.s32 @p2 $0x1  }
0x17: {  	s4 =	simm.s32 $0x1BF5;
	[smem:$0x3FBA] =	sst s0  }
0x18: {  	s0 =	sld [smem:$0x3F9D];
	_ =	swait.ge [sflag:s4], $0x0  }
0x19: {  	s7 =	sld [smem:$0x3F9E]  }
0x1a: {  	s8 =	sadd.s32 $0xFFFFE003, lr  }
0x1b: {  	s9 =	sadd.s32 $0xFFFFFEF7, lr;
	s5 =	simm.s32 $0xFFFFFFFF;
	p2 =	slt.u32 s8, $0xFFFFF086  }
0x1c: {  	p1 =	slt.u32 s9, $0xF7A;
	s5 =	simm.s32 @!p2 $0x0  }
0x1d: {  	s5 =	simm.s32 @p1 $0x1;
	p0 =	seq.s32 s7, s2  }
0x1e: {  	s7 =	smul.u32 @!p0 $0xF7A, s2;
	p2 =	seq.s32 @!p0 s5, $0x0  }
0x1f: {  	s9 =	smul.u32 $0xF7A, s1;
	s8 =	simm.s32 @!p0 $0x1BF5;
	p2 =	por !p2, p0  }
0x20: {  	[sflag:s8] =	ssyncset.s32 @!p0 $0xFFFFF086;
	s6 =	sadd.s32 @!p0 s3, s7;
	s7 =	simm.s32 @!p0 $0x108  }
0x21: {  	s3 =	sadd.s32 s3, s9;
	s6 =	sadd.s32 @!p0 $0x88, s6;
	s7 =	simm.s32 @p2 $0x1082  }
0x22: {  	[simem:s7], [sflag:s8] =	dma.local @!p0 [hbm:s6], $0xF7A  }
0x23: {  	s9 =	sor.u32 $0xD0000000, s2;
	s6 =	simm.s32 $0x108;
	_ =	swait.ge @!p0 [sflag:s8], $0x0  }
0x24: {  	s3 =	sadd.s32 $0x88, s3;
	s6 =	simm.s32 @!p1 $0x1082;
	[sflag:s4] =	ssyncset.s32 $0xFFFFF086  }
0x25: {  	[simem:s6], [sflag:s4] =	dma.local [hbm:s3], $0xF7A  }
0x26: {  	[smem:$0x3F9E] =	sst s1;
	(tag) =	ssettag s2;
	_ =	strace s9  }
0x27: {  	s1 =	sld [smem:$0x3FAE]  }
0x28: {  	s2 =	sld [smem:$0x3FAF]  }
0x29: {  	s4 =	sld [smem:$0x3FB1]  }
0x2a: {  	p0 =	seq.s32 s5, $0x0;
	s5 =	sld [smem:$0x3FB2]  }
0x2b: {  	s6 =	sld [smem:$0x3FB3]  }
0x2c: {  	s7 =	sld [smem:$0x3FB4]  }
0x2d: {  	s3 =	simm.s32 $0x108;
	s8 =	sld [smem:$0x3FB5]  }
0x2e: {  	s3 =	simm.s32 @!p0 $0x1082;
	s9 =	sld [smem:$0x3FB6]  }
0x2f: {  	lr =	sadd.s32 s0, s3;
	s0 =	sld [smem:$0x3FAD]  }
0x30: {  	s3 =	sld [smem:$0x3FB0]  }
0x31: {  	[smem:$0x3FB9] =	sst s10  }
0x32: {  	s10 =	sld [smem:$0x3FB7];
	_ =	sdelay $0x3  }
0x33: {  	p0 =	seq.s32 s10, $0x1;
	s10 =	sld [smem:$0x3FB9];
	_ =	sdelay $0x3  }
0x34: {  	[smem:$0x3FB9] =	sst s10  }
0x35: {  	s10 =	sld [smem:$0x3FB8];
	_ =	sdelay $0x3  }
0x36: {  	p1 =	seq.s32 s10, $0x1;
	s10 =	sld [smem:$0x3FB9];
	_ =	sdelay $0x3  }
0x37: {  	[smem:$0x3FB9] =	sst s10  }
0x38: {  	s10 =	sld [smem:$0x3FBA]  }
0x39: {  	_ = 	snop;
	(pc) =	sbr.ind lr, $3  }
0x3a: {  	_ = 	snop  }
0x3b: {  	_ = 	snop  }
0x3c: {  	p2 =	seq.s32 s10, $0x1;
	s10 =	sld [smem:$0x3FB9]  }
0x3d: {  	_ =	shalt  }
0x3e: {  	_ =	shalt  }
0x3f: {  	_ =	shalt  }
0x40: {  	_ =	shalt  }
0x41: {  	_ =	shalt  }
0x42: {  	_ =	shalt  }
0x43: {  	_ =	shalt  }
0x44: {  	_ =	shalt  }
0x45: {  	_ =	shalt  }
0x46: {  	_ =	shalt  }
0x47: {  	_ =	shalt  }
0x48: {  	_ =	shalt  }
0x49: {  	_ =	shalt  }
0x4a: {  	_ =	shalt  }
0x4b: {  	_ =	shalt  }
0x4c: {  	_ =	shalt  }
0x4d: {  	_ =	shalt  }
0x4e: {  	_ =	shalt  }
0x4f: {  	_ =	shalt  }
0x50: {  	_ =	shalt  }
0x51: {  	_ =	shalt  }
0x52: {  	_ =	shalt  }
0x53: {  	_ =	shalt  }
0x54: {  	_ =	shalt  }
0x55: {  	_ =	shalt  }
0x56: {  	_ =	shalt  }
0x57: {  	_ =	shalt  }
0x58: {  	_ =	shalt  }
0x59: {  	_ =	shalt  }
0x5a: {  	_ =	shalt  }
0x5b: {  	_ =	shalt  }
0x5c: {  	_ =	shalt  }
0x5d: {  	_ =	shalt  }
0x5e: {  	_ =	shalt  }
0x5f: {  	_ =	shalt  }
0x60: {  	_ =	shalt  }
0x61: {  	_ =	shalt  }
0x62: {  	_ =	shalt  }
0x63: {  	_ =	shalt  }
0x64: {  	_ =	shalt  }
0x65: {  	_ =	shalt  }
0x66: {  	_ =	shalt  }
0x67: {  	_ =	shalt  }
0x68: {  	_ =	shalt  }
0x69: {  	_ =	shalt  }
0x6a: {  	_ =	shalt  }
0x6b: {  	_ =	shalt  }
0x6c: {  	_ =	shalt  }
0x6d: {  	_ =	shalt  }
0x6e: {  	_ =	shalt  }
0x6f: {  	_ =	shalt  }
0x70: {  	_ =	shalt  }
0x71: {  	_ =	shalt  }
0x72: {  	_ =	shalt  }
0x73: {  	_ =	shalt  }
0x74: {  	_ =	shalt  }
0x75: {  	_ =	shalt  }
0x76: {  	_ =	shalt  }
0x77: {  	_ =	shalt  }
0x78: {  	_ =	shalt  }
0x79: {  	_ =	shalt  }
0x7a: {  	_ =	shalt  }
0x7b: {  	_ =	shalt  }
0x7c: {  	_ =	shalt  }
0x7d: {  	_ =	shalt  }
0x7e: {  	_ =	shalt  }
0x7f: {  	_ =	shalt  }
0x80: {  	_ =	shalt  }
0x81: {  	_ =	shalt  }
0x82: {  	_ =	shalt  }
0x83: {  	_ =	shalt  }
0x84: {  	_ =	shalt  }
0x85: {  	_ =	shalt  }
0x86: {  	_ =	shalt  }
0x87: {  	_ =	shalt  }
.Lfunc_end0:
.L_simem_size_0:
called_computation_lowered:
.L_overlay_start_0:
0x88: {  	s2 =	sld [smem:$0x3FD9]  }
0x89: {  	s3 =	sld [smem:$0x3FFE];
	_ =	sdelay $0x1  }
0x8a: {  	s1 =	srdreg.scid  }
0x8b: {  	s0 =	sand.u32 $0x1, s1  }
0x8c: {  	s18 =	sshll.u32 s0, $0xA;
	s2 =	sadd.s32 s3, s2  }
0x8d: {  	s2 =	sadd.s32 s2, s18  }
0x8e: {  	[smem:$0x3FC5] =	sst s2  }
0x8f: {  	_ = 	snop  }
0x90: {  	s2 =	sld [smem:$0x3FC9]  }
0x91: {  	s19 =	sld [smem:$0x3FC8]  }
0x92: {  	s4 =	sld [smem:$0x3FC7]  }
0x93: {  	s5 =	sld [smem:$0x3FD0];
	(tm) =	ssettm $0x1  }
0x94: {  	s6 =	sld [smem:$0x3FFB];
	_ =	sdelay $0x3  }
0x95: {  	_ =	strace s6  }
0x96: {  	s6 =	sld [smem:$0x3FFC];
	_ =	sdelay $0x3  }
0x97: {  	_ =	strace s6  }
0x98: {  	s6 =	sld [smem:$0x3FFD];
	_ =	sdelay $0x3  }
0x99: {  	_ =	strace s6  }
0x9a: {  	_ =	strace $0x8FFFFFFF  }
0x9b: {  	s20 =	sld [smem:$0x3FDB];
	_ =	sdelay $0x1  }
0x9c: {  	s7 =	simm.s32 $_scs_section_size  }
0x9d: {  	s8 =	simm.s32 $_size__tile_overlayer_lowered;
	s9 =	simm.s32 $_tile_overlayer_lowered  }
0x9e: {  	s23 =	simm.s32 $0x1BFF;
	s22 =	sshll.u32 s9, $0x1;
	s6 =	sadd.s32 s7, s20  }
0x9f: {  	s10 =	simm.s32 $0x0;
	s21 =	sshll.u32 s8, $0x1;
	s8 =	sadd.s32 s22, s6  }
0xa0: {  	[timem:s10], [sflag:s23] =	dma.local [hbm:s8], s21  }
0xa1: {  	_ =	swait.ge [sflag:s23], s21  }
0xa2: {  	s7 =	ssub.s32 $0x0, s21;
	[sflag:s23] =	ssyncset.done $0x0  }
0xa3: {  	[sflag:s23] =	ssyncadd.s32 s7;
	_ =	sdelay $0x1  }
0xa4: {  	s24 =	simm.s32 $0x1B8B  }
0xa5: {  	_ =	swait.ge [sflag:s24], $0x1  }
0xa6: {  	[sflag:s24] =	ssyncset.done $0x0  }
0xa7: {  	s25 =	simm.s32 $0x1B8E;
	[sflag:s24] =	ssyncadd.s32 $0xFFFFFFFF  }
0xa8: {  	s26 =	simm.s32 $execute0_lowered;
	[smem:$0x3FD2] =	sst s25  }
0xa9: {  	s7 =	sshll.u32 s26, $0x1;
	_ =	strace $0x80000046;
	[dreg:$0x1] =	wrdreg $0xFFFFFFFF  }
0xaa: {  	s28 =	simm.s32 $_size_execute0_lowered;
	s6 =	sadd.s32 s6, s7;
	[dreg:$0x0] =	wrdreg $0x0  }
0xab: {  	s7 =	sshll.u32 s28, $0x1;
	[dreg:$0x2] =	wrdreg s6  }
0xac: {  	[dreg:$0x3] =	wrdreg s7  }
0xad: {  	[dreg:$0x4] =	wrdreg $0xC0  }
0xae: {  	_ =	task [dreg:s10], $0x5FFFF  }
0xaf: {  	[dreg:$0x1] =	wrdreg $0xFFFFFFFF  }
0xb0: {  	[dreg:$0x0] =	wrdreg $0x60  }
0xb1: {  	[dreg:$0x2] =	wrdreg s2  }
0xb2: {  	[dreg:$0x3] =	wrdreg s19  }
0xb3: {  	[dreg:$0x4] =	wrdreg s4  }
0xb4: {  	[dreg:$0x5] =	wrdreg s5  }
0xb5: {  	[dreg:$0x6] =	wrdreg $0x9  }
0xb6: {  	_ =	task.clear_ibuf [dreg:s10], $0x7FFFF;
	_ =	strace $0x90000046  }
0xb7: {  	s29 =	simm.s32 $0x9;
	_ =	strace $0x80000048  }
0xb8: {  	_ =	swait.ge [sflag:s29], $0x1  }
0xb9: {  	[sflag:s29] =	ssyncadd.s32 $0xFFFFFFFF  }
0xba: {  	_ =	strace $0x90000048  }
0xbb: {  	_ =	sfence  }
0xbc: {  	s30 =	sld [smem:$0x0];
	_ =	sdelay $0x2  }
0xbd: {  	s31 =	sshll.u32 s1, $0xD;
	s1 =	sshrl.u32 s1, $0x2  }
0xbe: {  	s3 =	sand.u32 $0x4000, s31;
	s1 =	sadd.s32 s1, s30  }
0xbf: {  	s0 =	sor.u32 s3, s0;
	s1 =	sshll.u32 s1, $0x11  }
0xc0: {  	s0 =	sor.u32 s1, s0  }
0xc1: {  	s0 =	sadd.s32 $0x8F2B, s0  }
0xc2: {  	[sflag:s0] =	ssyncadd.remote.s32 $0x1  }
0xc3: {  	_ =	sfence.sel $0xFFFF  }
0xc4: {  	[dreg:$0x0] =	wrdreg $0xFFFFFFFF;
	(pc) =	sbr.abs _section_cstart, $3  }
0xc5: {  	[dreg:$0x1] =	wrdreg $0xFFFFFFFF  }
0xc6: {  	_ =	task.clear_ibuf [dreg:s10], $0x2FFFF;
	_ =	strace $0x9FFFFFFF  }
0xc7: {  	(tm) =	ssettm $0x7FFFFFFF  }
tec
execute0_lowered:
.L_overlay_start_1:
0x0: {  	(tag) =	ssettag $0x1  }
0x1: {  	s5 =	rddreg [dreg:$0x0]  }
0x2: {  	s0 =	srdreg.scid;
	s2 =	rddreg [dreg:$0x1]  }
0x3: {  	s1 =	stileid.u32;
	s7 =	rddreg [dreg:$0x2];
	s0 =	sand.u32 $0x1, s0  }
0x4: {  	s8 =	rddreg [dreg:$0x3];
	s1 =	sshll.u32 s1, $0x7;
	s4 =	sshll.u32 s0, $0x6  }
0x5: {  	s29 =	simm.s32 $0x7200;
	s31 =	simm.s32 $0x7A00;
	s1 =	sor.u32 s4, s1  }
0x6: {  	s30 =	simm.s32 $0x8A00;
	s6 =	sshll.u32 s1, $0x2;
	s1 =	sshrl.u32 s1, $0x3  }
0x7: {  	s28 =	simm.s32 $0x11200;
	s3 =	sand.u32 $0x1E00, s6;
	s20 =	smul.u32 $0x300, s1  }
0x8: {  	s0 =	ssub.s32 $0x2, s0;
	s9 =	sor.u32 s4, s3;
	s3 =	simm.s32 $0x0  }
0x9: {  	s9 =	sshrl.u32 s9, $0x3;
	[smem:$0x7FF] =	sst s3;
	s21 =	sadd.s32 s7, s20  }
0xa: {  	s24 =	sadd.s32 s8, s20;
	_ =	strace $0x80000047;
	[dreg:$0x8] =	wrdreg s21  }
0xb: {  	s22 =	sor.u32 $0x600, s20;
	s9 =	sadd.s32 s5, s9;
	[dreg:$0x1f] =	wrdreg s24  }
0xc: {  	s1 =	smul.u32 $0x1800, s1;
	s23 =	sadd.s32 s7, s22;
	[dreg:$0x1e] =	wrdreg s9  }
0xd: {  	s4 =	sor.u32 s4, s6;
	s25 =	sadd.s32 $0x30000, s24;
	[dreg:$0x9] =	wrdreg s23  }
0xe: {  	s4 =	sshrl.u32 s4, $0x3;
	s26 =	sadd.s32 $0x60000, s24;
	[dreg:$0xa] =	wrdreg s25  }
0xf: {  	s1 =	sshrl.u32 s1, $0x3;
	s12 =	sadd.s32 $0x30600, s24;
	[dreg:$0xb] =	wrdreg s26  }
0x10: {  	s19 =	sor.u32 $0x20, s4;
	s13 =	sadd.s32 $0x60600, s24;
	[dreg:$0xf] =	wrdreg s12  }
0x11: {  	s4 =	sor.u32 $0x30, s4;
	s14 =	sadd.s32 $0x90600, s24;
	[dreg:$0x10] =	wrdreg s13  }
0x12: {  	s10 =	sadd.s32 $0xC00, s1;
	s17 =	sadd.s32 $0x30C00, s24;
	[dreg:$0x11] =	wrdreg s14  }
0x13: {  	s1 =	sadd.s32 $0x1200, s1;
	s20 =	sadd.s32 $0x31200, s24;
	[dreg:$0x14] =	wrdreg s17  }
0x14: {  	s21 =	sshrl.u32 s0, $0x1;
	s18 =	sadd.s32 $0x10, s9;
	[dreg:$0x18] =	wrdreg s20  }
0x15: {  	s6 =	sadd.s32 s5, s19;
	s4 =	sadd.s32 s5, s4;
	[dreg:$0x5] =	wrdreg s18  }
0x16: {  	s9 =	sadd.s32 $0x90000, s24;
	s11 =	sadd.s32 s7, s10;
	[dreg:$0x6] =	wrdreg s6  }
0x17: {  	s15 =	sadd.s32 s7, s1;
	s16 =	sadd.s32 s8, s10;
	[dreg:$0x7] =	wrdreg s4  }
0x18: {  	s19 =	sadd.s32 $0x90C00, s24;
	s1 =	sadd.s32 s8, s1;
	[dreg:$0xc] =	wrdreg s9  }
0x19: {  	s0 =	ssub.s32 s0, s21;
	s23 =	sadd.s32 $0x91200, s24;
	[dreg:$0xd] =	wrdreg s11  }
0x1a: {  	s7 =	sadd.s32 $0x200, s2;
	s25 =	simm.s32 $0x100;
	[dreg:$0x12] =	wrdreg s15  }
0x1b: {  	s26 =	simm.s32 $0x180;
	s21 =	simm.s32 $0x3;
	[dreg:$0x13] =	wrdreg s16  }
0x1c: {  	s14 =	simm.s32 $0xAA00;
	s20 =	simm.s32 $0xEA00;
	[dreg:$0x16] =	wrdreg s19  }
0x1d: {  	s17 =	simm.s32 $0x10200;
	s10 =	simm.s32 $0x18200;
	[dreg:$0x17] =	wrdreg s1  }
0x1e: {  	s5 =	simm.s32 $0x1B200;
	s4 =	sadd.s32 s8, s22;
	[dreg:$0x1a] =	wrdreg s23  }
0x1f: {  	s18 =	sadd.s32 $0x60C00, s24;
	s22 =	sadd.s32 $0x61200, s24;
	[dreg:$0x1c] =	wrdreg s25  }
0x20: {  	s6 =	sadd.s32 $0x100, s2;
	s24 =	simm.s32 $0x80;
	[dreg:$0x1d] =	wrdreg s26  }
0x21: {  	s8 =	smax.u32 s0, $0x1;
	s9 =	simm.s32 $0x2;
	[dreg:$0xe] =	wrdreg s4  }
0x22: {  	v2 =	vlaneseq.u32;
	s19 =	simm.s32 $0x1;
	s15 =	simm.s32 $0xB200;
	[dreg:$0x15] =	wrdreg s18  }
0x23: {  	vm0 =	vmmov $0xffff;
	v1 =	vshrl.u32 v2, $0x3;
	s16 =	simm.s32 $0xBA00;
	s23 =	simm.s32 $0x10A00;
	[dreg:$0x19] =	wrdreg s22  }
0x24: {  	v0 =	vand.u32 $0x7, v2;
	v2 =	vor.u32 $0x8, v2;
	v1 =	vmul.u32 $0x8, v1;
	s11 =	simm.s32 $0x15200;
	[dreg:$0x1b] =	wrdreg s24;
	s18 =	simm.s32 $0xCA00  }
.LBB2_1:
0x25: {  	s22 =	rddreg [dreg:$0x5]  }
0x26: {  	s24 =	rddreg [dreg:$0x1b]  }
0x27: {  	s25 =	rddreg [dreg:$0x1e]  }
0x28: {  	s1 =	rddreg [dreg:$0x6]  }
0x29: {  	[tilespmem:s3], [sflag:$0x2] =	stream.linear.gather [hbm4b:s25+s3], $0x40, $0x38;
	[tilespmem:$0x1E200] =	vst v63  }
0x2a: {  	s4 =	rddreg [dreg:$0x1c]  }
0x2b: {  	[tilespmem:s24], [sflag:$0x2] =	stream.linear.gather [hbm4b:s22+s3], $0x40, $0x38;
	[tilespmem:$0x1E200] =	vst v63  }
0x2c: {  	s12 =	rddreg [dreg:$0x7]  }
0x2d: {  	[tilespmem:s4], [sflag:$0x2] =	stream.linear.gather [hbm4b:s1+s3], $0x40, $0x38;
	[tilespmem:$0x1E200] =	vst v63  }
0x2e: {  	s26 =	rddreg [dreg:$0x1d]  }
0x2f: {  	[tilespmem:s26], [sflag:$0x2] =	stream.linear.gather [hbm4b:s12+s3], $0x40, $0x38;
	[tilespmem:$0x1E200] =	vst v63  }
0x30: {  	_ =	swait.ge [sflag:s9], $0x40  }
0x31: {  	[sflag:s9] =	ssyncset.done $0x0  }
0x32: {  	[sflag:s9] =	ssyncadd.s32 $0xFFFFFFC0  }
0x33: {  	_ =	swait.ge [sflag:s9], $0x40  }
0x34: {  	[sflag:s9] =	ssyncset.done $0x0  }
0x35: {  	[sflag:s9] =	ssyncadd.s32 $0xFFFFFFC0  }
0x36: {  	_ =	swait.ge [sflag:s9], $0x40  }
0x37: {  	[sflag:s9] =	ssyncset.done $0x0  }
0x38: {  	[sflag:s9] =	ssyncadd.s32 $0xFFFFFFC0  }
0x39: {  	_ =	swait.ge [sflag:s9], $0x40  }
0x3a: {  	[sflag:s9] =	ssyncset.done $0x0  }
0x3b: {  	s25 =	simm.s32 $0x200;
	s13 =	rddreg [dreg:$0x8];
	[sflag:s9] =	ssyncadd.s32 $0xFFFFFFC0  }
0x3c: {  	[tilespmem:s25], [sflag:$0x2] =	stream.linear.gather [hbm4b:s13+s3], $0x3000, $0x38;
	[tilespmem:$0x1E200] =	vst v63  }
0x3d: {  	v3 =	vld [tilespmem:$0x0];
	_ =	sdelay $0x4  }
0x3e: {  	v4 =	vshrl.u32 v3, $0x3  }
0x3f: {  	v4 =	vmul.u32 $0x30, v4  }
0x40: {  	v3 =	vand.u32 $0x7, v3  }
0x41: {  	v3 =	vor.u32 v3, v4  }
0x42: {  	v4 =	vperm.xlane v3, v0;
	_ =	sdelay $0x1  }
0x43: {  	v4 =	vadd.s32 v1, v4;
	_ =	sdelay $0x3  }
0x44: {  	s0 =	simm.s32 $0x6200;
	v3 =	vperm.xlane v3, v2  }
0x45: {  	[tilespmem:s0], [sflag:$0x1] =	stream.indirect_vreg.gather [hbm4b:s2+s3], $0x80, v4, vm0, $0xb8;
	[tilespmem:$0x1E200] =	vst v63  }
0x46: {  	s26 =	simm.s32 $0x6A00;
	v3 =	vadd.s32 v1, v3  }
0x47: {  	[tilespmem:s26], [sflag:$0x1] =	stream.indirect_vreg.gather [hbm4b:s6+s3], $0x80, v4, vm0, $0xb8;
	[tilespmem:$0x1E200] =	vst v63  }
0x48: {  	_ = 	snop  }
0x49: {  	[tilespmem:s29], [sflag:$0x1] =	stream.indirect_vreg.gather [hbm4b:s7+s3], $0x80, v4, vm0, $0xb8;
	[tilespmem:$0x1E200] =	vst v63  }
0x4a: {  	_ = 	snop  }
0x4b: {  	[tilespmem:s31], [sflag:$0x1] =	stream.indirect_vreg.gather [hbm4b:s2+s3], $0x80, v3, vm0, $0xb8;
	[tilespmem:$0x1E200] =	vst v63  }
0x4c: {  	s22 =	simm.s32 $0x8200  }
0x4d: {  	[tilespmem:s22], [sflag:$0x1] =	stream.indirect_vreg.gather [hbm4b:s6+s3], $0x80, v3, vm0, $0xb8;
	[tilespmem:$0x1E200] =	vst v63  }
0x4e: {  	_ = 	snop  }
0x4f: {  	[tilespmem:s30], [sflag:$0x1] =	stream.indirect_vreg.gather [hbm4b:s7+s3], $0x80, v3, vm0, $0xb8;
	[tilespmem:$0x1E200] =	vst v63  }
0x50: {  	v3 =	vld [tilespmem:$0x80];
	_ =	sdelay $0x4  }
0x51: {  	v49 =	vshrl.u32 v3, $0x3  }
0x52: {  	v4 =	vmul.u32 $0x30, v49  }
0x53: {  	v3 =	vand.u32 $0x7, v3  }
0x54: {  	v3 =	vor.u32 v3, v4  }
0x55: {  	v4 =	vperm.xlane v3, v0;
	_ =	sdelay $0x1  }
0x56: {  	v4 =	vadd.s32 v1, v4;
	_ =	sdelay $0x3  }
0x57: {  	s24 =	simm.s32 $0x9200;
	v3 =	vperm.xlane v3, v2  }
0x58: {  	[tilespmem:s24], [sflag:$0x1] =	stream.indirect_vreg.gather [hbm4b:s2+s3], $0x80, v4, vm0, $0xb8;
	[tilespmem:$0x1E200] =	vst v63  }
0x59: {  	s1 =	simm.s32 $0x9A00;
	v3 =	vadd.s32 v1, v3  }
0x5a: {  	[tilespmem:s1], [sflag:$0x1] =	stream.indirect_vreg.gather [hbm4b:s6+s3], $0x80, v4, vm0, $0xb8;
	[tilespmem:$0x1E200] =	vst v63  }
0x5b: {  	s4 =	simm.s32 $0xA200  }
0x5c: {  	[tilespmem:s4], [sflag:$0x1] =	stream.indirect_vreg.gather [hbm4b:s7+s3], $0x80, v4, vm0, $0xb8;
	[tilespmem:$0x1E200] =	vst v63  }
0x5d: {  	_ = 	snop  }
0x5e: {  	[tilespmem:s14], [sflag:$0x1] =	stream.indirect_vreg.gather [hbm4b:s2+s3], $0x80, v3, vm0, $0xb8;
	[tilespmem:$0x1E200] =	vst v63  }
0x5f: {  	_ = 	snop  }
0x60: {  	[tilespmem:s15], [sflag:$0x1] =	stream.indirect_vreg.gather [hbm4b:s6+s3], $0x80, v3, vm0, $0xb8;
	[tilespmem:$0x1E200] =	vst v63  }
0x61: {  	_ = 	snop  }
0x62: {  	[tilespmem:s16], [sflag:$0x1] =	stream.indirect_vreg.gather [hbm4b:s7+s3], $0x80, v3, vm0, $0xb8;
	[tilespmem:$0x1E200] =	vst v63  }
0x63: {  	v3 =	vld [tilespmem:$0x100];
	_ =	sdelay $0x4  }
0x64: {  	v50 =	vshrl.u32 v3, $0x3  }
0x65: {  	v4 =	vmul.u32 $0x30, v50  }
0x66: {  	v3 =	vand.u32 $0x7, v3  }
0x67: {  	v3 =	vor.u32 v3, v4  }
0x68: {  	v4 =	vperm.xlane v3, v0;
	_ =	sdelay $0x1  }
0x69: {  	v4 =	vadd.s32 v1, v4;
	_ =	sdelay $0x3  }
0x6a: {  	s12 =	simm.s32 $0xC200;
	v3 =	vperm.xlane v3, v2  }
0x6b: {  	[tilespmem:s12], [sflag:$0x1] =	stream.indirect_vreg.gather [hbm4b:s2+s3], $0x80, v4, vm0, $0xb8;
	[tilespmem:$0x1E200] =	vst v63  }
0x6c: {  	v3 =	vadd.s32 v1, v3  }
0x6d: {  	[tilespmem:s18], [sflag:$0x1] =	stream.indirect_vreg.gather [hbm4b:s6+s3], $0x80, v4, vm0, $0xb8;
	[tilespmem:$0x1E200] =	vst v63  }
0x6e: {  	s13 =	simm.s32 $0xD200  }
0x6f: {  	[tilespmem:s13], [sflag:$0x1] =	stream.indirect_vreg.gather [hbm4b:s7+s3], $0x80, v4, vm0, $0xb8;
	[tilespmem:$0x1E200] =	vst v63  }
0x70: {  	s22 =	simm.s32 $0xDA00  }
0x71: {  	[tilespmem:s22], [sflag:$0x1] =	stream.indirect_vreg.gather [hbm4b:s2+s3], $0x80, v3, vm0, $0xb8;
	[tilespmem:$0x1E200] =	vst v63  }
0x72: {  	s13 =	simm.s32 $0xE200  }
0x73: {  	[tilespmem:s13], [sflag:$0x1] =	stream.indirect_vreg.gather [hbm4b:s6+s3], $0x80, v3, vm0, $0xb8;
	[tilespmem:$0x1E200] =	vst v63  }
0x74: {  	_ = 	snop  }
0x75: {  	[tilespmem:s20], [sflag:$0x1] =	stream.indirect_vreg.gather [hbm4b:s7+s3], $0x80, v3, vm0, $0xb8;
	[tilespmem:$0x1E200] =	vst v63  }
0x76: {  	v3 =	vld [tilespmem:$0x180];
	_ =	sdelay $0x4  }
0x77: {  	v51 =	vshrl.u32 v3, $0x3  }
0x78: {  	v4 =	vmul.u32 $0x30, v51  }
0x79: {  	v3 =	vand.u32 $0x7, v3  }
0x7a: {  	v3 =	vor.u32 v3, v4  }
0x7b: {  	v4 =	vperm.xlane v3, v0;
	_ =	sdelay $0x1  }
0x7c: {  	v4 =	vadd.s32 v1, v4;
	_ =	sdelay $0x3  }
0x7d: {  	s24 =	simm.s32 $0xF200;
	v3 =	vperm.xlane v3, v2  }
0x7e: {  	[tilespmem:s24], [sflag:$0x1] =	stream.indirect_vreg.gather [hbm4b:s2+s3], $0x80, v4, vm0, $0xb8;
	[tilespmem:$0x1E200] =	vst v63  }
0x7f: {  	s1 =	simm.s32 $0xFA00;
	v3 =	vadd.s32 v1, v3  }
0x80: {  	[tilespmem:s1], [sflag:$0x1] =	stream.indirect_vreg.gather [hbm4b:s6+s3], $0x80, v4, vm0, $0xb8;
	[tilespmem:$0x1E200] =	vst v63  }
0x81: {  	_ = 	snop  }
0x82: {  	[tilespmem:s17], [sflag:$0x1] =	stream.indirect_vreg.gather [hbm4b:s7+s3], $0x80, v4, vm0, $0xb8;
	[tilespmem:$0x1E200] =	vst v63  }
0x83: {  	_ = 	snop  }
0x84: {  	[tilespmem:s23], [sflag:$0x1] =	stream.indirect_vreg.gather [hbm4b:s2+s3], $0x80, v3, vm0, $0xb8;
	[tilespmem:$0x1E200] =	vst v63  }
0x85: {  	_ = 	snop  }
0x86: {  	[tilespmem:s28], [sflag:$0x1] =	stream.indirect_vreg.gather [hbm4b:s6+s3], $0x80, v3, vm0, $0xb8;
	[tilespmem:$0x1E200] =	vst v63  }
0x87: {  	s12 =	simm.s32 $0x11A00  }
0x88: {  	[tilespmem:s12], [sflag:$0x1] =	stream.indirect_vreg.gather [hbm4b:s7+s3], $0x80, v3, vm0, $0xb8;
	[tilespmem:$0x1E200] =	vst v63  }
0x89: {  	s4 =	rddreg [dreg:$0x9];
	s24 =	simm.s32 $0x3200  }
0x8a: {  	[tilespmem:s24], [sflag:$0x2] =	stream.linear.gather [hbm4b:s4+s3], $0x3000, $0x38;
	[tilespmem:$0x1E200] =	vst v63  }
0x8b: {  	v3 =	vld [tilespmem:$0x10];
	_ =	sdelay $0x4  }
0x8c: {  	v52 =	vshrl.u32 v3, $0x3  }
0x8d: {  	v4 =	vmul.u32 $0x30, v52  }
0x8e: {  	v3 =	vand.u32 $0x7, v3  }
0x8f: {  	v3 =	vor.u32 v3, v4  }
0x90: {  	v4 =	vperm.xlane v3, v0;
	_ =	sdelay $0x1  }
0x91: {  	v4 =	vadd.s32 v1, v4;
	_ =	sdelay $0x3  }
0x92: {  	s1 =	simm.s32 $0x12200;
	v3 =	vperm.xlane v3, v2  }
0x93: {  	[tilespmem:s1], [sflag:$0x1] =	stream.indirect_vreg.gather [hbm4b:s2+s3], $0x80, v4, vm0, $0xb8;
	[tilespmem:$0x1E200] =	vst v63  }
0x94: {  	s4 =	simm.s32 $0x12A00;
	v3 =	vadd.s32 v1, v3  }
0x95: {  	[tilespmem:s4], [sflag:$0x1] =	stream.indirect_vreg.gather [hbm4b:s6+s3], $0x80, v4, vm0, $0xb8;
	[tilespmem:$0x1E200] =	vst v63  }
0x96: {  	s22 =	simm.s32 $0x13200  }
0x97: {  	[tilespmem:s22], [sflag:$0x1] =	stream.indirect_vreg.gather [hbm4b:s7+s3], $0x80, v4, vm0, $0xb8;
	[tilespmem:$0x1E200] =	vst v63  }
0x98: {  	s24 =	simm.s32 $0x13A00  }
0x99: {  	[tilespmem:s24], [sflag:$0x1] =	stream.indirect_vreg.gather [hbm4b:s2+s3], $0x80, v3, vm0, $0xb8;
	[tilespmem:$0x1E200] =	vst v63  }
0x9a: {  	s1 =	simm.s32 $0x14200  }
0x9b: {  	[tilespmem:s1], [sflag:$0x1] =	stream.indirect_vreg.gather [hbm4b:s6+s3], $0x80, v3, vm0, $0xb8;
	[tilespmem:$0x1E200] =	vst v63  }
0x9c: {  	s4 =	simm.s32 $0x14A00  }
0x9d: {  	[tilespmem:s4], [sflag:$0x1] =	stream.indirect_vreg.gather [hbm4b:s7+s3], $0x80, v3, vm0, $0xb8;
	[tilespmem:$0x1E200] =	vst v63  }
0x9e: {  	v3 =	vld [tilespmem:$0x90];
	_ =	sdelay $0x4  }
0x9f: {  	v53 =	vshrl.u32 v3, $0x3  }
0xa0: {  	v4 =	vmul.u32 $0x30, v53  }
0xa1: {  	v3 =	vand.u32 $0x7, v3  }
0xa2: {  	v3 =	vor.u32 v3, v4  }
0xa3: {  	v4 =	vperm.xlane v3, v0;
	_ =	sdelay $0x1  }
0xa4: {  	v4 =	vadd.s32 v1, v4;
	_ =	sdelay $0x3  }
0xa5: {  	v3 =	vperm.xlane v3, v2  }
0xa6: {  	[tilespmem:s11], [sflag:$0x1] =	stream.indirect_vreg.gather [hbm4b:s2+s3], $0x80, v4, vm0, $0xb8;
	[tilespmem:$0x1E200] =	vst v63  }
0xa7: {  	s22 =	simm.s32 $0x15A00;
	v3 =	vadd.s32 v1, v3  }
0xa8: {  	[tilespmem:s22], [sflag:$0x1] =	stream.indirect_vreg.gather [hbm4b:s6+s3], $0x80, v4, vm0, $0xb8;
	[tilespmem:$0x1E200] =	vst v63  }
0xa9: {  	s24 =	simm.s32 $0x16200  }
0xaa: {  	[tilespmem:s24], [sflag:$0x1] =	stream.indirect_vreg.gather [hbm4b:s7+s3], $0x80, v4, vm0, $0xb8;
	[tilespmem:$0x1E200] =	vst v63  }
0xab: {  	s1 =	simm.s32 $0x16A00  }
0xac: {  	[tilespmem:s1], [sflag:$0x1] =	stream.indirect_vreg.gather [hbm4b:s2+s3], $0x80, v3, vm0, $0xb8;
	[tilespmem:$0x1E200] =	vst v63  }
0xad: {  	s4 =	simm.s32 $0x17200  }
0xae: {  	[tilespmem:s4], [sflag:$0x1] =	stream.indirect_vreg.gather [hbm4b:s6+s3], $0x80, v3, vm0, $0xb8;
	[tilespmem:$0x1E200] =	vst v63  }
0xaf: {  	s22 =	simm.s32 $0x17A00  }
0xb0: {  	[tilespmem:s22], [sflag:$0x1] =	stream.indirect_vreg.gather [hbm4b:s7+s3], $0x80, v3, vm0, $0xb8;
	[tilespmem:$0x1E200] =	vst v63  }
0xb1: {  	v3 =	vld [tilespmem:$0x110];
	_ =	sdelay $0x4  }
0xb2: {  	v54 =	vshrl.u32 v3, $0x3  }
0xb3: {  	v4 =	vmul.u32 $0x30, v54  }
0xb4: {  	v3 =	vand.u32 $0x7, v3  }
0xb5: {  	v3 =	vor.u32 v3, v4  }
0xb6: {  	v4 =	vperm.xlane v3, v0;
	_ =	sdelay $0x1  }
0xb7: {  	v4 =	vadd.s32 v1, v4;
	_ =	sdelay $0x3  }
0xb8: {  	v3 =	vperm.xlane v3, v2  }
0xb9: {  	[tilespmem:s10], [sflag:$0x1] =	stream.indirect_vreg.gather [hbm4b:s2+s3], $0x80, v4, vm0, $0xb8;
	[tilespmem:$0x1E200] =	vst v63  }
0xba: {  	s24 =	simm.s32 $0x18A00;
	v3 =	vadd.s32 v1, v3  }
0xbb: {  	[tilespmem:s24], [sflag:$0x1] =	stream.indirect_vreg.gather [hbm4b:s6+s3], $0x80, v4, vm0, $0xb8;
	[tilespmem:$0x1E200] =	vst v63  }
0xbc: {  	s1 =	simm.s32 $0x19200  }
0xbd: {  	[tilespmem:s1], [sflag:$0x1] =	stream.indirect_vreg.gather [hbm4b:s7+s3], $0x80, v4, vm0, $0xb8;
	[tilespmem:$0x1E200] =	vst v63  }
0xbe: {  	s4 =	simm.s32 $0x19A00  }
0xbf: {  	[tilespmem:s4], [sflag:$0x1] =	stream.indirect_vreg.gather [hbm4b:s2+s3], $0x80, v3, vm0, $0xb8;
	[tilespmem:$0x1E200] =	vst v63  }
0xc0: {  	s22 =	simm.s32 $0x1A200  }
0xc1: {  	[tilespmem:s22], [sflag:$0x1] =	stream.indirect_vreg.gather [hbm4b:s6+s3], $0x80, v3, vm0, $0xb8;
	[tilespmem:$0x1E200] =	vst v63  }
0xc2: {  	s24 =	simm.s32 $0x1AA00  }
0xc3: {  	[tilespmem:s24], [sflag:$0x1] =	stream.indirect_vreg.gather [hbm4b:s7+s3], $0x80, v3, vm0, $0xb8;
	[tilespmem:$0x1E200] =	vst v63  }
0xc4: {  	v3 =	vld [tilespmem:$0x190];
	_ =	sdelay $0x4  }
0xc5: {  	v55 =	vshrl.u32 v3, $0x3  }
0xc6: {  	v4 =	vmul.u32 $0x30, v55  }
0xc7: {  	v3 =	vand.u32 $0x7, v3  }
0xc8: {  	v3 =	vor.u32 v3, v4  }
0xc9: {  	v4 =	vperm.xlane v3, v0;
	_ =	sdelay $0x1  }
0xca: {  	v4 =	vadd.s32 v1, v4;
	_ =	sdelay $0x3  }
0xcb: {  	v3 =	vperm.xlane v3, v2  }
0xcc: {  	[tilespmem:s5], [sflag:$0x1] =	stream.indirect_vreg.gather [hbm4b:s2+s3], $0x80, v4, vm0, $0xb8;
	[tilespmem:$0x1E200] =	vst v63  }
0xcd: {  	s1 =	simm.s32 $0x1BA00;
	v3 =	vadd.s32 v1, v3  }
0xce: {  	[tilespmem:s1], [sflag:$0x1] =	stream.indirect_vreg.gather [hbm4b:s6+s3], $0x80, v4, vm0, $0xb8;
	[tilespmem:$0x1E200] =	vst v63  }
0xcf: {  	s4 =	simm.s32 $0x1C200  }
0xd0: {  	[tilespmem:s4], [sflag:$0x1] =	stream.indirect_vreg.gather [hbm4b:s7+s3], $0x80, v4, vm0, $0xb8;
	[tilespmem:$0x1E200] =	vst v63  }
0xd1: {  	s22 =	simm.s32 $0x1CA00  }
0xd2: {  	[tilespmem:s22], [sflag:$0x1] =	stream.indirect_vreg.gather [hbm4b:s2+s3], $0x80, v3, vm0, $0xb8;
	[tilespmem:$0x1E200] =	vst v63  }
0xd3: {  	s24 =	simm.s32 $0x1D200  }
0xd4: {  	[tilespmem:s24], [sflag:$0x1] =	stream.indirect_vreg.gather [hbm4b:s6+s3], $0x80, v3, vm0, $0xb8;
	[tilespmem:$0x1E200] =	vst v63  }
0xd5: {  	s1 =	simm.s32 $0x1DA00  }
0xd6: {  	[tilespmem:s1], [sflag:$0x1] =	stream.indirect_vreg.gather [hbm4b:s7+s3], $0x80, v3, vm0, $0xb8;
	[tilespmem:$0x1E200] =	vst v63  }
0xd7: {  	_ =	swait.ge [sflag:s9], $0x3000  }
0xd8: {  	[sflag:s9] =	ssyncset.done $0x0  }
0xd9: {  	[sflag:s9] =	ssyncadd.s32 $0xFFFFD000  }
0xda: {  	_ =	swait.ge [sflag:s19], $0x3000  }
0xdb: {  	[sflag:s19] =	ssyncset.done $0x0  }
0xdc: {  	[sflag:s19] =	ssyncadd.s32 $0xFFFFD000  }
0xdd: {  	_ =	swait.ge [sflag:s19], $0x3000  }
0xde: {  	[sflag:s19] =	ssyncset.done $0x0  }
0xdf: {  	[sflag:s19] =	ssyncadd.s32 $0xFFFFD000  }
0xe0: {  	_ =	swait.ge [sflag:s19], $0x3000  }
0xe1: {  	[sflag:s19] =	ssyncset.done $0x0  }
0xe2: {  	[sflag:s19] =	ssyncadd.s32 $0xFFFFD000  }
0xe3: {  	_ =	swait.ge [sflag:s19], $0x3000  }
0xe4: {  	[sflag:s19] =	ssyncset.done $0x0  }
0xe5: {  	s0 =	simm.s32 $0x6200;
	s4 =	rddreg [dreg:$0x1f];
	[sflag:s19] =	ssyncadd.s32 $0xFFFFD000  }
0xe6: {  	[hbm4b:s4+s3] =	stream.linear.scatter [tilespmem:s0], [sflag:$0x3], $0x3000, $0x38;
	[tilespmem:$0x1E200] =	vst v63  }
0xe7: {  	s1 =	simm.s32 $0x9200;
	s22 =	rddreg [dreg:$0xa]  }
0xe8: {  	[hbm4b:s22+s3] =	stream.linear.scatter [tilespmem:s1], [sflag:$0x3], $0x3000, $0x38;
	[tilespmem:$0x1E200] =	vst v63  }
0xe9: {  	s24 =	rddreg [dreg:$0xb];
	s4 =	simm.s32 $0xC200  }
0xea: {  	[hbm4b:s24+s3] =	stream.linear.scatter [tilespmem:s4], [sflag:$0x3], $0x3000, $0x38;
	[tilespmem:$0x1E200] =	vst v63  }
0xeb: {  	s22 =	rddreg [dreg:$0xc];
	s24 =	simm.s32 $0xF200  }
0xec: {  	[hbm4b:s22+s3] =	stream.linear.scatter [tilespmem:s24], [sflag:$0x3], $0x3000, $0x38;
	[tilespmem:$0x1E200] =	vst v63  }
0xed: {  	_ =	swait.ge [sflag:s21], $0x3000  }
0xee: {  	[sflag:s21] =	ssyncset.done $0x0  }
0xef: {  	[sflag:s21] =	ssyncadd.s32 $0xFFFFD000  }
0xf0: {  	_ =	swait.ge [sflag:s21], $0x3000  }
0xf1: {  	[sflag:s21] =	ssyncset.done $0x0  }
0xf2: {  	[sflag:s21] =	ssyncadd.s32 $0xFFFFD000  }
0xf3: {  	_ =	swait.ge [sflag:s21], $0x3000  }
0xf4: {  	[sflag:s21] =	ssyncset.done $0x0  }
0xf5: {  	[sflag:s21] =	ssyncadd.s32 $0xFFFFD000  }
0xf6: {  	_ =	swait.ge [sflag:s21], $0x3000  }
0xf7: {  	[sflag:s21] =	ssyncset.done $0x0  }
0xf8: {  	s22 =	rddreg [dreg:$0xd];
	[sflag:s21] =	ssyncadd.s32 $0xFFFFD000  }
0xf9: {  	[tilespmem:s25], [sflag:$0x2] =	stream.linear.gather [hbm4b:s22+s3], $0x3000, $0x38;
	[tilespmem:$0x1E200] =	vst v63  }
0xfa: {  	v3 =	vld [tilespmem:$0x20];
	_ =	sdelay $0x4  }
0xfb: {  	v56 =	vshrl.u32 v3, $0x3  }
0xfc: {  	v4 =	vmul.u32 $0x30, v56  }
0xfd: {  	v3 =	vand.u32 $0x7, v3  }
0xfe: {  	v3 =	vor.u32 v3, v4  }
0xff: {  	v4 =	vperm.xlane v3, v0;
	_ =	sdelay $0x1  }
0x100: {  	v4 =	vadd.s32 v1, v4;
	_ =	sdelay $0x3  }
0x101: {  	v3 =	vperm.xlane v3, v2  }
0x102: {  	[tilespmem:s0], [sflag:$0x1] =	stream.indirect_vreg.gather [hbm4b:s2+s3], $0x80, v4, vm0, $0xb8;
	[tilespmem:$0x1E200] =	vst v63  }
0x103: {  	v3 =	vadd.s32 v1, v3  }
0x104: {  	[tilespmem:s26], [sflag:$0x1] =	stream.indirect_vreg.gather [hbm4b:s6+s3], $0x80, v4, vm0, $0xb8;
	[tilespmem:$0x1E200] =	vst v63  }
0x105: {  	_ = 	snop  }
0x106: {  	[tilespmem:s29], [sflag:$0x1] =	stream.indirect_vreg.gather [hbm4b:s7+s3], $0x80, v4, vm0, $0xb8;
	[tilespmem:$0x1E200] =	vst v63  }
0x107: {  	_ = 	snop  }
0x108: {  	[tilespmem:s31], [sflag:$0x1] =	stream.indirect_vreg.gather [hbm4b:s2+s3], $0x80, v3, vm0, $0xb8;
	[tilespmem:$0x1E200] =	vst v63  }
0x109: {  	s22 =	simm.s32 $0x8200  }
0x10a: {  	[tilespmem:s22], [sflag:$0x1] =	stream.indirect_vreg.gather [hbm4b:s6+s3], $0x80, v3, vm0, $0xb8;
	[tilespmem:$0x1E200] =	vst v63  }
0x10b: {  	_ = 	snop  }
0x10c: {  	[tilespmem:s30], [sflag:$0x1] =	stream.indirect_vreg.gather [hbm4b:s7+s3], $0x80, v3, vm0, $0xb8;
	[tilespmem:$0x1E200] =	vst v63  }
0x10d: {  	v3 =	vld [tilespmem:$0xA0];
	_ =	sdelay $0x4  }
0x10e: {  	v57 =	vshrl.u32 v3, $0x3  }
0x10f: {  	v4 =	vmul.u32 $0x30, v57  }
0x110: {  	v3 =	vand.u32 $0x7, v3  }
0x111: {  	v3 =	vor.u32 v3, v4  }
0x112: {  	v4 =	vperm.xlane v3, v0;
	_ =	sdelay $0x1  }
0x113: {  	v4 =	vadd.s32 v1, v4;
	_ =	sdelay $0x3  }
0x114: {  	v3 =	vperm.xlane v3, v2  }
0x115: {  	[tilespmem:s1], [sflag:$0x1] =	stream.indirect_vreg.gather [hbm4b:s2+s3], $0x80, v4, vm0, $0xb8;
	[tilespmem:$0x1E200] =	vst v63  }
0x116: {  	s26 =	simm.s32 $0x9A00;
	v3 =	vadd.s32 v1, v3  }
0x117: {  	[tilespmem:s26], [sflag:$0x1] =	stream.indirect_vreg.gather [hbm4b:s6+s3], $0x80, v4, vm0, $0xb8;
	[tilespmem:$0x1E200] =	vst v63  }
0x118: {  	s22 =	simm.s32 $0xA200  }
0x119: {  	[tilespmem:s22], [sflag:$0x1] =	stream.indirect_vreg.gather [hbm4b:s7+s3], $0x80, v4, vm0, $0xb8;
	[tilespmem:$0x1E200] =	vst v63  }
0x11a: {  	_ = 	snop  }
0x11b: {  	[tilespmem:s14], [sflag:$0x1] =	stream.indirect_vreg.gather [hbm4b:s2+s3], $0x80, v3, vm0, $0xb8;
	[tilespmem:$0x1E200] =	vst v63  }
0x11c: {  	_ = 	snop  }
0x11d: {  	[tilespmem:s15], [sflag:$0x1] =	stream.indirect_vreg.gather [hbm4b:s6+s3], $0x80, v3, vm0, $0xb8;
	[tilespmem:$0x1E200] =	vst v63  }
0x11e: {  	_ = 	snop  }
0x11f: {  	[tilespmem:s16], [sflag:$0x1] =	stream.indirect_vreg.gather [hbm4b:s7+s3], $0x80, v3, vm0, $0xb8;
	[tilespmem:$0x1E200] =	vst v63  }
0x120: {  	v3 =	vld [tilespmem:$0x120];
	_ =	sdelay $0x4  }
0x121: {  	v58 =	vshrl.u32 v3, $0x3  }
0x122: {  	v4 =	vmul.u32 $0x30, v58  }
0x123: {  	v3 =	vand.u32 $0x7, v3  }
0x124: {  	v3 =	vor.u32 v3, v4  }
0x125: {  	v4 =	vperm.xlane v3, v0;
	_ =	sdelay $0x1  }
0x126: {  	v4 =	vadd.s32 v1, v4;
	_ =	sdelay $0x3  }
0x127: {  	v3 =	vperm.xlane v3, v2  }
0x128: {  	[tilespmem:s4], [sflag:$0x1] =	stream.indirect_vreg.gather [hbm4b:s2+s3], $0x80, v4, vm0, $0xb8;
	[tilespmem:$0x1E200] =	vst v63  }
0x129: {  	v3 =	vadd.s32 v1, v3  }
0x12a: {  	[tilespmem:s18], [sflag:$0x1] =	stream.indirect_vreg.gather [hbm4b:s6+s3], $0x80, v4, vm0, $0xb8;
	[tilespmem:$0x1E200] =	vst v63  }
0x12b: {  	s26 =	simm.s32 $0xD200  }
0x12c: {  	[tilespmem:s26], [sflag:$0x1] =	stream.indirect_vreg.gather [hbm4b:s7+s3], $0x80, v4, vm0, $0xb8;
	[tilespmem:$0x1E200] =	vst v63  }
0x12d: {  	s22 =	simm.s32 $0xDA00  }
0x12e: {  	[tilespmem:s22], [sflag:$0x1] =	stream.indirect_vreg.gather [hbm4b:s2+s3], $0x80, v3, vm0, $0xb8;
	[tilespmem:$0x1E200] =	vst v63  }
0x12f: {  	_ = 	snop  }
0x130: {  	[tilespmem:s13], [sflag:$0x1] =	stream.indirect_vreg.gather [hbm4b:s6+s3], $0x80, v3, vm0, $0xb8;
	[tilespmem:$0x1E200] =	vst v63  }
0x131: {  	_ = 	snop  }
0x132: {  	[tilespmem:s20], [sflag:$0x1] =	stream.indirect_vreg.gather [hbm4b:s7+s3], $0x80, v3, vm0, $0xb8;
	[tilespmem:$0x1E200] =	vst v63  }
0x133: {  	v3 =	vld [tilespmem:$0x1A0];
	_ =	sdelay $0x4  }
0x134: {  	v59 =	vshrl.u32 v3, $0x3  }
0x135: {  	v4 =	vmul.u32 $0x30, v59  }
0x136: {  	v3 =	vand.u32 $0x7, v3  }
0x137: {  	v3 =	vor.u32 v3, v4  }
0x138: {  	v4 =	vperm.xlane v3, v0;
	_ =	sdelay $0x1  }
0x139: {  	v4 =	vadd.s32 v1, v4;
	_ =	sdelay $0x3  }
0x13a: {  	v3 =	vperm.xlane v3, v2  }
0x13b: {  	[tilespmem:s24], [sflag:$0x1] =	stream.indirect_vreg.gather [hbm4b:s2+s3], $0x80, v4, vm0, $0xb8;
	[tilespmem:$0x1E200] =	vst v63  }
0x13c: {  	v3 =	vadd.s32 v1, v3;
	s24 =	simm.s32 $0xFA00  }
0x13d: {  	[tilespmem:s24], [sflag:$0x1] =	stream.indirect_vreg.gather [hbm4b:s6+s3], $0x80, v4, vm0, $0xb8;
	[tilespmem:$0x1E200] =	vst v63  }
0x13e: {  	_ = 	snop  }
0x13f: {  	[tilespmem:s17], [sflag:$0x1] =	stream.indirect_vreg.gather [hbm4b:s7+s3], $0x80, v4, vm0, $0xb8;
	[tilespmem:$0x1E200] =	vst v63  }
0x140: {  	_ = 	snop  }
0x141: {  	[tilespmem:s23], [sflag:$0x1] =	stream.indirect_vreg.gather [hbm4b:s2+s3], $0x80, v3, vm0, $0xb8;
	[tilespmem:$0x1E200] =	vst v63  }
0x142: {  	_ = 	snop  }
0x143: {  	[tilespmem:s28], [sflag:$0x1] =	stream.indirect_vreg.gather [hbm4b:s6+s3], $0x80, v3, vm0, $0xb8;
	[tilespmem:$0x1E200] =	vst v63  }
0x144: {  	_ = 	snop  }
0x145: {  	[tilespmem:s12], [sflag:$0x1] =	stream.indirect_vreg.gather [hbm4b:s7+s3], $0x80, v3, vm0, $0xb8;
	[tilespmem:$0x1E200] =	vst v63  }
0x146: {  	_ =	swait.ge [sflag:s9], $0x3000  }
0x147: {  	[sflag:s9] =	ssyncset.done $0x0  }
0x148: {  	[sflag:s9] =	ssyncadd.s32 $0xFFFFD000  }
0x149: {  	_ =	swait.ge [sflag:s19], $0x3000  }
0x14a: {  	[sflag:s19] =	ssyncset.done $0x0  }
0x14b: {  	[sflag:s19] =	ssyncadd.s32 $0xFFFFD000  }
0x14c: {  	_ =	swait.ge [sflag:s19], $0x3000  }
0x14d: {  	[sflag:s19] =	ssyncset.done $0x0  }
0x14e: {  	[sflag:s19] =	ssyncadd.s32 $0xFFFFD000  }
0x14f: {  	_ =	swait.ge [sflag:s19], $0x3000  }
0x150: {  	[sflag:s19] =	ssyncset.done $0x0  }
0x151: {  	[sflag:s19] =	ssyncadd.s32 $0xFFFFD000  }
0x152: {  	_ =	swait.ge [sflag:s19], $0x3000  }
0x153: {  	[sflag:s19] =	ssyncset.done $0x0  }
0x154: {  	s4 =	simm.s32 $0x12200;
	s26 =	rddreg [dreg:$0xe];
	[sflag:s19] =	ssyncadd.s32 $0xFFFFD000  }
0x155: {  	[hbm4b:s26+s3] =	stream.linear.scatter [tilespmem:s4], [sflag:$0x3], $0x3000, $0x38;
	[tilespmem:$0x1E200] =	vst v63  }
0x156: {  	s12 =	rddreg [dreg:$0xf]  }
0x157: {  	[hbm4b:s12+s3] =	stream.linear.scatter [tilespmem:s11], [sflag:$0x3], $0x3000, $0x38;
	[tilespmem:$0x1E200] =	vst v63  }
0x158: {  	s26 =	rddreg [dreg:$0x10]  }
0x159: {  	[hbm4b:s26+s3] =	stream.linear.scatter [tilespmem:s10], [sflag:$0x3], $0x3000, $0x38;
	[tilespmem:$0x1E200] =	vst v63  }
0x15a: {  	s12 =	rddreg [dreg:$0x11]  }
0x15b: {  	[hbm4b:s12+s3] =	stream.linear.scatter [tilespmem:s5], [sflag:$0x3], $0x3000, $0x38;
	[tilespmem:$0x1E200] =	vst v63  }
0x15c: {  	_ =	swait.ge [sflag:s21], $0x3000  }
0x15d: {  	[sflag:s21] =	ssyncset.done $0x0  }
0x15e: {  	[sflag:s21] =	ssyncadd.s32 $0xFFFFD000  }
0x15f: {  	_ =	swait.ge [sflag:s21], $0x3000  }
0x160: {  	[sflag:s21] =	ssyncset.done $0x0  }
0x161: {  	[sflag:s21] =	ssyncadd.s32 $0xFFFFD000  }
0x162: {  	_ =	swait.ge [sflag:s21], $0x3000  }
0x163: {  	[sflag:s21] =	ssyncset.done $0x0  }
0x164: {  	[sflag:s21] =	ssyncadd.s32 $0xFFFFD000  }
0x165: {  	_ =	swait.ge [sflag:s21], $0x3000  }
0x166: {  	[sflag:s21] =	ssyncset.done $0x0  }
0x167: {  	s26 =	simm.s32 $0x3200;
	s24 =	rddreg [dreg:$0x12];
	[sflag:s21] =	ssyncadd.s32 $0xFFFFD000  }
0x168: {  	[tilespmem:s26], [sflag:$0x2] =	stream.linear.gather [hbm4b:s24+s3], $0x3000, $0x38;
	[tilespmem:$0x1E200] =	vst v63  }
0x169: {  	v3 =	vld [tilespmem:$0x30];
	_ =	sdelay $0x4  }
0x16a: {  	v60 =	vshrl.u32 v3, $0x3  }
0x16b: {  	v4 =	vmul.u32 $0x30, v60  }
0x16c: {  	v3 =	vand.u32 $0x7, v3  }
0x16d: {  	v3 =	vor.u32 v3, v4  }
0x16e: {  	v4 =	vperm.xlane v3, v0;
	_ =	sdelay $0x1  }
0x16f: {  	v4 =	vadd.s32 v1, v4;
	_ =	sdelay $0x3  }
0x170: {  	v3 =	vperm.xlane v3, v2  }
0x171: {  	[tilespmem:s4], [sflag:$0x1] =	stream.indirect_vreg.gather [hbm4b:s2+s3], $0x80, v4, vm0, $0xb8;
	[tilespmem:$0x1E200] =	vst v63  }
0x172: {  	s22 =	simm.s32 $0x12A00;
	v3 =	vadd.s32 v1, v3  }
0x173: {  	[tilespmem:s22], [sflag:$0x1] =	stream.indirect_vreg.gather [hbm4b:s6+s3], $0x80, v4, vm0, $0xb8;
	[tilespmem:$0x1E200] =	vst v63  }
0x174: {  	s24 =	simm.s32 $0x13200  }
0x175: {  	[tilespmem:s24], [sflag:$0x1] =	stream.indirect_vreg.gather [hbm4b:s7+s3], $0x80, v4, vm0, $0xb8;
	[tilespmem:$0x1E200] =	vst v63  }
0x176: {  	s26 =	simm.s32 $0x13A00  }
0x177: {  	[tilespmem:s26], [sflag:$0x1] =	stream.indirect_vreg.gather [hbm4b:s2+s3], $0x80, v3, vm0, $0xb8;
	[tilespmem:$0x1E200] =	vst v63  }
0x178: {  	s22 =	simm.s32 $0x14200  }
0x179: {  	[tilespmem:s22], [sflag:$0x1] =	stream.indirect_vreg.gather [hbm4b:s6+s3], $0x80, v3, vm0, $0xb8;
	[tilespmem:$0x1E200] =	vst v63  }
0x17a: {  	s24 =	simm.s32 $0x14A00  }
0x17b: {  	[tilespmem:s24], [sflag:$0x1] =	stream.indirect_vreg.gather [hbm4b:s7+s3], $0x80, v3, vm0, $0xb8;
	[tilespmem:$0x1E200] =	vst v63  }
0x17c: {  	v3 =	vld [tilespmem:$0xB0];
	_ =	sdelay $0x4  }
0x17d: {  	v61 =	vshrl.u32 v3, $0x3  }
0x17e: {  	v4 =	vmul.u32 $0x30, v61  }
0x17f: {  	v3 =	vand.u32 $0x7, v3  }
0x180: {  	v3 =	vor.u32 v3, v4  }
0x181: {  	v4 =	vperm.xlane v3, v0;
	_ =	sdelay $0x1  }
0x182: {  	v4 =	vadd.s32 v1, v4;
	_ =	sdelay $0x3  }
0x183: {  	v3 =	vperm.xlane v3, v2  }
0x184: {  	[tilespmem:s11], [sflag:$0x1] =	stream.indirect_vreg.gather [hbm4b:s2+s3], $0x80, v4, vm0, $0xb8;
	[tilespmem:$0x1E200] =	vst v63  }
0x185: {  	s26 =	simm.s32 $0x15A00;
	v3 =	vadd.s32 v1, v3  }
0x186: {  	[tilespmem:s26], [sflag:$0x1] =	stream.indirect_vreg.gather [hbm4b:s6+s3], $0x80, v4, vm0, $0xb8;
	[tilespmem:$0x1E200] =	vst v63  }
0x187: {  	s22 =	simm.s32 $0x16200  }
0x188: {  	[tilespmem:s22], [sflag:$0x1] =	stream.indirect_vreg.gather [hbm4b:s7+s3], $0x80, v4, vm0, $0xb8;
	[tilespmem:$0x1E200] =	vst v63  }
0x189: {  	s24 =	simm.s32 $0x16A00  }
0x18a: {  	[tilespmem:s24], [sflag:$0x1] =	stream.indirect_vreg.gather [hbm4b:s2+s3], $0x80, v3, vm0, $0xb8;
	[tilespmem:$0x1E200] =	vst v63  }
0x18b: {  	s26 =	simm.s32 $0x17200  }
0x18c: {  	[tilespmem:s26], [sflag:$0x1] =	stream.indirect_vreg.gather [hbm4b:s6+s3], $0x80, v3, vm0, $0xb8;
	[tilespmem:$0x1E200] =	vst v63  }
0x18d: {  	s22 =	simm.s32 $0x17A00  }
0x18e: {  	[tilespmem:s22], [sflag:$0x1] =	stream.indirect_vreg.gather [hbm4b:s7+s3], $0x80, v3, vm0, $0xb8;
	[tilespmem:$0x1E200] =	vst v63  }
0x18f: {  	v3 =	vld [tilespmem:$0x130];
	_ =	sdelay $0x4  }
0x190: {  	v62 =	vshrl.u32 v3, $0x3  }
0x191: {  	v4 =	vmul.u32 $0x30, v62  }
0x192: {  	v3 =	vand.u32 $0x7, v3  }
0x193: {  	v3 =	vor.u32 v3, v4  }
0x194: {  	v4 =	vperm.xlane v3, v0;
	_ =	sdelay $0x1  }
0x195: {  	v4 =	vadd.s32 v1, v4;
	_ =	sdelay $0x3  }
0x196: {  	v3 =	vperm.xlane v3, v2  }
0x197: {  	[tilespmem:s10], [sflag:$0x1] =	stream.indirect_vreg.gather [hbm4b:s2+s3], $0x80, v4, vm0, $0xb8;
	[tilespmem:$0x1E200] =	vst v63  }
0x198: {  	s24 =	simm.s32 $0x18A00;
	v3 =	vadd.s32 v1, v3  }
0x199: {  	[tilespmem:s24], [sflag:$0x1] =	stream.indirect_vreg.gather [hbm4b:s6+s3], $0x80, v4, vm0, $0xb8;
	[tilespmem:$0x1E200] =	vst v63  }
0x19a: {  	s26 =	simm.s32 $0x19200  }
0x19b: {  	[tilespmem:s26], [sflag:$0x1] =	stream.indirect_vreg.gather [hbm4b:s7+s3], $0x80, v4, vm0, $0xb8;
	[tilespmem:$0x1E200] =	vst v63  }
0x19c: {  	s22 =	simm.s32 $0x19A00  }
0x19d: {  	[tilespmem:s22], [sflag:$0x1] =	stream.indirect_vreg.gather [hbm4b:s2+s3], $0x80, v3, vm0, $0xb8;
	[tilespmem:$0x1E200] =	vst v63  }
0x19e: {  	s24 =	simm.s32 $0x1A200  }
0x19f: {  	[tilespmem:s24], [sflag:$0x1] =	stream.indirect_vreg.gather [hbm4b:s6+s3], $0x80, v3, vm0, $0xb8;
	[tilespmem:$0x1E200] =	vst v63  }
0x1a0: {  	s26 =	simm.s32 $0x1AA00  }
0x1a1: {  	[tilespmem:s26], [sflag:$0x1] =	stream.indirect_vreg.gather [hbm4b:s7+s3], $0x80, v3, vm0, $0xb8;
	[tilespmem:$0x1E200] =	vst v63  }
0x1a2: {  	v3 =	vld [tilespmem:$0x1B0];
	_ =	sdelay $0x4  }
0x1a3: {  	v63 =	vshrl.u32 v3, $0x3  }
0x1a4: {  	v4 =	vmul.u32 $0x30, v63  }
0x1a5: {  	v3 =	vand.u32 $0x7, v3  }
0x1a6: {  	v3 =	vor.u32 v3, v4  }
0x1a7: {  	v4 =	vperm.xlane v3, v0;
	_ =	sdelay $0x1  }
0x1a8: {  	v4 =	vadd.s32 v1, v4;
	_ =	sdelay $0x3  }
0x1a9: {  	v3 =	vperm.xlane v3, v2  }
0x1aa: {  	[tilespmem:s5], [sflag:$0x1] =	stream.indirect_vreg.gather [hbm4b:s2+s3], $0x80, v4, vm0, $0xb8;
	[tilespmem:$0x1E200] =	vst v63  }
0x1ab: {  	s22 =	simm.s32 $0x1BA00;
	v3 =	vadd.s32 v1, v3  }
0x1ac: {  	[tilespmem:s22], [sflag:$0x1] =	stream.indirect_vreg.gather [hbm4b:s6+s3], $0x80, v4, vm0, $0xb8;
	[tilespmem:$0x1E200] =	vst v63  }
0x1ad: {  	s24 =	simm.s32 $0x1C200  }
0x1ae: {  	[tilespmem:s24], [sflag:$0x1] =	stream.indirect_vreg.gather [hbm4b:s7+s3], $0x80, v4, vm0, $0xb8;
	[tilespmem:$0x1E200] =	vst v63  }
0x1af: {  	s26 =	simm.s32 $0x1CA00  }
0x1b0: {  	[tilespmem:s26], [sflag:$0x1] =	stream.indirect_vreg.gather [hbm4b:s2+s3], $0x80, v3, vm0, $0xb8;
	[tilespmem:$0x1E200] =	vst v63  }
0x1b1: {  	s22 =	simm.s32 $0x1D200  }
0x1b2: {  	[tilespmem:s22], [sflag:$0x1] =	stream.indirect_vreg.gather [hbm4b:s6+s3], $0x80, v3, vm0, $0xb8;
	[tilespmem:$0x1E200] =	vst v63  }
0x1b3: {  	s24 =	simm.s32 $0x1DA00  }
0x1b4: {  	[tilespmem:s24], [sflag:$0x1] =	stream.indirect_vreg.gather [hbm4b:s7+s3], $0x80, v3, vm0, $0xb8;
	[tilespmem:$0x1E200] =	vst v63  }
0x1b5: {  	_ =	swait.ge [sflag:s9], $0x3000  }
0x1b6: {  	[sflag:s9] =	ssyncset.done $0x0  }
0x1b7: {  	[sflag:s9] =	ssyncadd.s32 $0xFFFFD000  }
0x1b8: {  	_ =	swait.ge [sflag:s19], $0x3000  }
0x1b9: {  	[sflag:s19] =	ssyncset.done $0x0  }
0x1ba: {  	[sflag:s19] =	ssyncadd.s32 $0xFFFFD000  }
0x1bb: {  	_ =	swait.ge [sflag:s19], $0x3000  }
0x1bc: {  	[sflag:s19] =	ssyncset.done $0x0  }
0x1bd: {  	[sflag:s19] =	ssyncadd.s32 $0xFFFFD000  }
0x1be: {  	_ =	swait.ge [sflag:s19], $0x3000  }
0x1bf: {  	[sflag:s19] =	ssyncset.done $0x0  }
0x1c0: {  	[sflag:s19] =	ssyncadd.s32 $0xFFFFD000  }
0x1c1: {  	_ =	swait.ge [sflag:s19], $0x3000  }
0x1c2: {  	[sflag:s19] =	ssyncset.done $0x0  }
0x1c3: {  	s25 =	simm.s32 $0x6200;
	s26 =	rddreg [dreg:$0x13];
	[sflag:s19] =	ssyncadd.s32 $0xFFFFD000  }
0x1c4: {  	[hbm4b:s26+s3] =	stream.linear.scatter [tilespmem:s25], [sflag:$0x3], $0x3000, $0x38;
	[tilespmem:$0x1E200] =	vst v63  }
0x1c5: {  	s0 =	simm.s32 $0x9200;
	s12 =	rddreg [dreg:$0x14]  }
0x1c6: {  	[hbm4b:s12+s3] =	stream.linear.scatter [tilespmem:s0], [sflag:$0x3], $0x3000, $0x38;
	[tilespmem:$0x1E200] =	vst v63  }
0x1c7: {  	s1 =	simm.s32 $0xC200;
	s26 =	rddreg [dreg:$0x15]  }
0x1c8: {  	[hbm4b:s26+s3] =	stream.linear.scatter [tilespmem:s1], [sflag:$0x3], $0x3000, $0x38;
	[tilespmem:$0x1E200] =	vst v63  }
0x1c9: {  	s13 =	simm.s32 $0xF200;
	s0 =	rddreg [dreg:$0x16]  }
0x1ca: {  	[hbm4b:s0+s3] =	stream.linear.scatter [tilespmem:s13], [sflag:$0x3], $0x3000, $0x38;
	[tilespmem:$0x1E200] =	vst v63  }
0x1cb: {  	_ =	swait.ge [sflag:s9], $0x3000  }
0x1cc: {  	[sflag:s9] =	ssyncset.done $0x0  }
0x1cd: {  	[sflag:s9] =	ssyncadd.s32 $0xFFFFD000  }
0x1ce: {  	_ =	swait.ge [sflag:s19], $0x3000  }
0x1cf: {  	[sflag:s19] =	ssyncset.done $0x0  }
0x1d0: {  	[sflag:s19] =	ssyncadd.s32 $0xFFFFD000  }
0x1d1: {  	_ =	swait.ge [sflag:s19], $0x3000  }
0x1d2: {  	[sflag:s19] =	ssyncset.done $0x0  }
0x1d3: {  	[sflag:s19] =	ssyncadd.s32 $0xFFFFD000  }
0x1d4: {  	_ =	swait.ge [sflag:s19], $0x3000  }
0x1d5: {  	[sflag:s19] =	ssyncset.done $0x0  }
0x1d6: {  	[sflag:s19] =	ssyncadd.s32 $0xFFFFD000  }
0x1d7: {  	_ =	swait.ge [sflag:s19], $0x3000  }
0x1d8: {  	[sflag:s19] =	ssyncset.done $0x0  }
0x1d9: {  	s4 =	simm.s32 $0x12200;
	s12 =	rddreg [dreg:$0x17];
	[sflag:s19] =	ssyncadd.s32 $0xFFFFD000  }
0x1da: {  	[hbm4b:s12+s3] =	stream.linear.scatter [tilespmem:s4], [sflag:$0x3], $0x3000, $0x38;
	[tilespmem:$0x1E200] =	vst v63  }
0x1db: {  	s13 =	rddreg [dreg:$0x18]  }
0x1dc: {  	[hbm4b:s13+s3] =	stream.linear.scatter [tilespmem:s11], [sflag:$0x3], $0x3000, $0x38;
	[tilespmem:$0x1E200] =	vst v63  }
0x1dd: {  	s25 =	rddreg [dreg:$0x19]  }
0x1de: {  	[hbm4b:s25+s3] =	stream.linear.scatter [tilespmem:s10], [sflag:$0x3], $0x3000, $0x38;
	[tilespmem:$0x1E200] =	vst v63  }
0x1df: {  	s26 =	rddreg [dreg:$0x1a]  }
0x1e0: {  	[hbm4b:s26+s3] =	stream.linear.scatter [tilespmem:s5], [sflag:$0x3], $0x3000, $0x38;
	[tilespmem:$0x1E200] =	vst v63  }
0x1e1: {  	_ =	swait.ge [sflag:s21], $0x3000  }
0x1e2: {  	[sflag:s21] =	ssyncset.done $0x0  }
0x1e3: {  	[sflag:s21] =	ssyncadd.s32 $0xFFFFD000  }
0x1e4: {  	_ =	swait.ge [sflag:s21], $0x3000  }
0x1e5: {  	[sflag:s21] =	ssyncset.done $0x0  }
0x1e6: {  	[sflag:s21] =	ssyncadd.s32 $0xFFFFD000  }
0x1e7: {  	_ =	swait.ge [sflag:s21], $0x3000  }
0x1e8: {  	[sflag:s21] =	ssyncset.done $0x0  }
0x1e9: {  	[sflag:s21] =	ssyncadd.s32 $0xFFFFD000  }
0x1ea: {  	_ =	swait.ge [sflag:s21], $0x3000  }
0x1eb: {  	[sflag:s21] =	ssyncset.done $0x0  }
0x1ec: {  	[sflag:s21] =	ssyncadd.s32 $0xFFFFD000  }
0x1ed: {  	_ =	swait.ge [sflag:s21], $0x3000  }
0x1ee: {  	[sflag:s21] =	ssyncset.done $0x0  }
0x1ef: {  	[sflag:s21] =	ssyncadd.s32 $0xFFFFD000  }
0x1f0: {  	_ =	swait.ge [sflag:s21], $0x3000  }
0x1f1: {  	[sflag:s21] =	ssyncset.done $0x0  }
0x1f2: {  	[sflag:s21] =	ssyncadd.s32 $0xFFFFD000  }
0x1f3: {  	p0 =	sne.s32 s8, $0x1;
	_ =	swait.ge [sflag:s21], $0x3000  }
.Ltmp0:
0x1f4: {  	[sflag:s21] =	ssyncset.done $0x0;
	(pc) =	sbr.rel @p0 .LBB2_1-.Ltmp0, $4  }
0x1f5: {  	[sflag:s21] =	ssyncadd.s32 $0xFFFFD000  }
0x1f6: {  	_ =	swait.ge [sflag:s21], $0x3000  }
0x1f7: {  	[sflag:s21] =	ssyncset.done $0x0  }
0x1f8: {  	s8 =	sadd.s32 $0xFFFFFFFF, s8;
	[sflag:s21] =	ssyncadd.s32 $0xFFFFD000  }
0x1f9: {  	_ =	sfence.sel $0x180000  }
0x1fa: {  	[bflag:$0x0] =	sbarrier.arrive $0xFFFF  }
0x1fb: {  	_ =	strace $0x90000047  }
0x1fc: {  	s0 =	stileid.u32;
	[bflag:$0x2] =	sbarrier.arrive $0xFFFF  }
0x1fd: {  	p0 =	sne.s32 s0, $0x0;
	s0 =	rddreg [dreg:$0x4]  }
0x1fe: {  	s0 =	sadd.s32 @!p0 $0x100000, s0  }
0x1ff: {  	[sflag:s0] =	ssyncadd.tile.s32 @!p0 $0x1;
	_ =	shalt  }
.Lfunc_end2:
_tile_overlayer_lowered:
.L_overlay_start_2:
0x200: {  	(tag) =	ssettag $0x2  }
0x201: {  	s0 =	rddreg [dreg:$0x0];
	s2 =	stileid.u32  }
0x202: {  	s1 =	rddreg [dreg:$0x1];
	p0 =	sne.s32 s2, $0x0  }
0x203: {  	s3 =	rddreg [dreg:$0x2];
	[bflag:$0x3] =	sbarrier.arrive $0xFFFF;
	s2 =	simm.s32 @!p0 $0x1C04  }
0x204: {  	[timem:s3], [sflag:s2] =	dma.local @!p0 [hbm:s0], s1  }
0x205: {  	s0 =	simm.s32 @!p0 $0x4  }
0x206: {  	_ =	swait.ge @!p0 [sflag:s0], s1  }
0x207: {  	s1 =	ssub.s32 @!p0 $0x0, s1;
	[sflag:s0] =	ssyncset.done @!p0 $0x0  }
0x208: {  	[sflag:s0] =	ssyncadd.s32 @!p0 s1  }
0x209: {  	[bflag:$0x3] =	sbarrier.arrive $0xFFFF  }
0x20a: {  	_ =	shalt  }

</sc_bundles>
